<compile_context>
chip_gen: v7x
topology: tpu7x:2x2x1
jax: 0.10.2.dev20260603
libtpu: 0.0.44.dev20260713+nightly
codegen_flags: <defaults>
</compile_context>

<pallas_src>
import functools

import jax
import jax.numpy as jnp
from jax import lax
from jax.experimental import pallas as pl
from jax.experimental.pallas import tpu as pltpu
from jax.experimental.pallas import tpu_sc as plsc

_C = 128
_BE = 1000


def _build_sc(E, D):
    NC, NS = 2, 16
    NW = NC * NS
    n_chunks = E // _C
    n_i = -(-n_chunks // NW)
    if n_i % 2:
        n_i += 1
    n_pairs = n_i // 2
    mesh = plsc.VectorSubcoreMesh(core_axis_name="c", subcore_axis_name="s")

    @functools.partial(
        pl.kernel,
        mesh=mesh,
        out_type=jax.ShapeDtypeStruct((E, 3 * D), jnp.float32),
        scratch_types=[
            pltpu.VMEM((2, _C), jnp.int32),
            pltpu.VMEM((2, _C), jnp.int32),
            pltpu.VMEM((_C, 2 * D), jnp.float32),
            pltpu.VMEM((_C, 2 * D), jnp.float32),
            pltpu.SemaphoreType.DMA,
            pltpu.SemaphoreType.DMA,
            pltpu.SemaphoreType.DMA,
            pltpu.SemaphoreType.DMA,
            pltpu.SemaphoreType.DMA,
        ],
    )
    def k(node_hbm, idx_hbm, out_hbm,
          idx0, idx1, rows0, rows1,
          semidx, semg0, semg1, semst0, semst1):
        wid = lax.axis_index("s") * NC + lax.axis_index("c")
        idxb = (idx0, idx1)
        rowb = (rows0, rows1)

        def chunk_of(i):
            ch = wid + i * NW
            return jnp.where(ch >= n_chunks, ch - n_chunks, ch)

        def load_copies(i, b, sem):
            rows = rowb[b]
            return (
                pltpu.make_async_copy(node_hbm.at[idxb[b].at[0]],
                                      rows.at[:, pl.ds(0, D)], sem),
                pltpu.make_async_copy(node_hbm.at[idxb[b].at[1]],
                                      rows.at[:, pl.ds(D, D)], sem),
            )

        def store_copies(i, b, sem):
            base = chunk_of(i) * _C
            return (
                pltpu.make_async_copy(
                    rowb[b], out_hbm.at[pl.ds(base, _C), pl.ds(D, 2 * D)],
                    sem),
            )

        def idx_copy(i, b):
            return pltpu.make_async_copy(idx_hbm.at[chunk_of(i)], idxb[b],
                                         semidx)

        def start(copies):
            for c in copies:
                c.start()

        def drain(copies):
            for c in copies:
                c.wait()

        idx_copy(0, 0).start()
        idx_copy(0, 0).wait()
        start(load_copies(0, 0, semg0))

        def body(p, carry):
            i0 = 2 * p
            i1 = i0 + 1

            idx_copy(i1, 1).start()
            drain(load_copies(i0, 0, semg0))
            start(store_copies(i0, 0, semst0))

            @pl.when(p > 0)
            def _():
                drain(store_copies(i0 - 1, 1, semst1))

            idx_copy(i1, 1).wait()
            start(load_copies(i1, 1, semg1))

            @pl.when(p < n_pairs - 1)
            def _():
                idx_copy(i1 + 1, 0).start()

            drain(load_copies(i1, 1, semg1))
            start(store_copies(i1, 1, semst1))
            drain(store_copies(i0, 0, semst0))

            @pl.when(p < n_pairs - 1)
            def _():
                idx_copy(i1 + 1, 0).wait()
                start(load_copies(i1 + 1, 0, semg0))

            return carry

        lax.fori_loop(0, n_pairs, body, 0)

        drain(store_copies(n_i - 1, 1, semst1))

    return k


def _edge_band_copy(x_ref, buf_ref, o_ref):
    del buf_ref
    o_ref[...] = x_ref[...]


def _fill_edge_band(buf, edge_feat):
    E, D = edge_feat.shape
    return pl.pallas_call(
        _edge_band_copy,
        grid=(E // _BE,),
        in_specs=[
            pl.BlockSpec((_BE, D), lambda i: (i, 0)),
            pl.BlockSpec(memory_space=pl.ANY),
        ],
        out_specs=pl.BlockSpec((_BE, D), lambda i: (i, 0)),
        out_shape=jax.ShapeDtypeStruct((E, 3 * D), jnp.float32),
        input_output_aliases={1: 0},
    )(edge_feat, buf)


def kernel(edge_feat, node_feat, edge_index):
    E, D = edge_feat.shape
    n_chunks = E // _C
    idx = edge_index.astype(jnp.int32)
    comb = idx.reshape(2, n_chunks, _C).transpose(1, 0, 2)
    buf = _build_sc(E, D)(node_feat, comb)
    return _fill_edge_band(buf, edge_feat)

# --- scband reference (transcript-rebuilt; emitter-appended) ---
"""Pipeline reference for scband-gather-12025908429135 (READ-ONLY COPY).

The authoritative reference and input builder live on the scoring server;
editing this copy changes nothing except your own understanding.
"""

import jax, jax.numpy as jnp
import numpy as np

N_NODES = 10000
N_EDGES = 320000
D_FEAT = 128

def setup_inputs(seed: int = 0) -> dict:
    key = jax.random.key(seed)
    k1, k2, k3 = jax.random.split(key, 3)
    edge_feat = jax.random.normal(k1, (N_EDGES, D_FEAT), dtype=jnp.float32)
    node_feat = jax.random.normal(k2, (N_NODES, D_FEAT), dtype=jnp.float32)
    edge_index = jax.random.randint(k3, (2, N_EDGES), 0, N_NODES, dtype=jnp.int64)
    return {"edge_feat": edge_feat, "node_feat": node_feat, "edge_index": edge_index}

def reference(edge_feat, node_feat, edge_index):
    # broadcast_node_to_edges(SOURCE): gather node features at source node indices
    source_bcast = jnp.take(node_feat, edge_index[0], axis=0)
    # broadcast_node_to_edges(TARGET): gather node features at target node indices
    target_bcast = jnp.take(node_feat, edge_index[1], axis=0)
    # concat edge hidden state with broadcast source/target node states
    new = jnp.concatenate([edge_feat, source_bcast, target_bcast], axis=1)
    return new

if __name__ == "__main__":
    import jax
    _d = setup_inputs()
    print(jax.jit(kernel)(*tuple(_d.values())))

</pallas_src>

<mosaic_0001>
#map = affine_map<(d0, d1) -> (0, 0)>
#map1 = affine_map<(d0, d1) -> (0, 0, 0)>
module attributes {stable_mosaic.version = 14 : i64} {
  func.func @k(%arg0: i32, %arg1: i32, %arg2: memref<10000x128xf32, #tpu.memory_space<hbm>>, %arg3: memref<2500x2x128xi32, #tpu.memory_space<hbm>>, %arg4: memref<320000x384xf32, #tpu.memory_space<hbm>>, %arg5: memref<2x128xi32, #tpu.memory_space<vmem>>, %arg6: memref<2x128xi32, #tpu.memory_space<vmem>>, %arg7: memref<128x256xf32, #tpu.memory_space<vmem>>, %arg8: memref<128x256xf32, #tpu.memory_space<vmem>>, %arg9: memref<!tpu.dma_semaphore, #tpu.memory_space<semaphore_mem>>, %arg10: memref<!tpu.dma_semaphore, #tpu.memory_space<semaphore_mem>>, %arg11: memref<!tpu.dma_semaphore, #tpu.memory_space<semaphore_mem>>, %arg12: memref<!tpu.dma_semaphore, #tpu.memory_space<semaphore_mem>>, %arg13: memref<!tpu.dma_semaphore, #tpu.memory_space<semaphore_mem>>) attributes {dimension_semantics = [#tpu.dimension_semantics<core_parallel>, #tpu.dimension_semantics<subcore_parallel>], iteration_bounds = array<i64: 2, 16>, scalar_prefetch = 0 : i64, scratch_operands = 9 : i64, tpu.core_type = #tpu.core_type<sc_vector_subcore>, window_params = [{transform_indices = #map}, {transform_indices = #map1}, {transform_indices = #map}]} {
    %mul3A = arith.constant 2 : i32
    %mul3A_0 = arith.muli %arg1, %mul3A : i32
    %add3A = arith.addi %mul3A_0, %arg0 : i32
    %add3A_1 = arith.constant 0 : i32
    %add3A_2 = arith.addi %add3A, %add3A_1 : i32
    %ge3A = arith.constant 2500 : i32
    %ge3A_3 = arith.cmpi sge, %add3A_2, %ge3A : i32
    %sub3A = arith.constant 2500 : i32
    %sub3A_4 = arith.subi %add3A_2, %sub3A : i32
    %select_n3A = arith.select %ge3A_3, %sub3A_4, %add3A_2 : i32
    %dma_start3A = arith.constant 0 : i32
    %dma_start3A_5 = arith.constant 0 : i32
    %dma_start3A_6 = tpu.memref_slice %arg3[%select_n3A, %dma_start3A, %dma_start3A_5] : memref<2500x2x128xi32, #tpu.memory_space<hbm>> -> memref<1x2x128xi32, #tpu.memory_space<hbm>>
    %dma_start3A_7 = tpu.memref_squeeze %dma_start3A_6 : memref<1x2x128xi32, #tpu.memory_space<hbm>> -> memref<2x128xi32, #tpu.memory_space<hbm>>
    %dma_start3A_8 = arith.constant 0 : i32
    %dma_start3A_9 = arith.constant 0 : i32
    %dma_start3A_10 = tpu.memref_slice %arg3[%select_n3A, %dma_start3A_8, %dma_start3A_9] : memref<2500x2x128xi32, #tpu.memory_space<hbm>> -> memref<1x2x128xi32, #tpu.memory_space<hbm>>
    %dma_start3A_11 = tpu.memref_squeeze %dma_start3A_10 : memref<1x2x128xi32, #tpu.memory_space<hbm>> -> memref<2x128xi32, #tpu.memory_space<hbm>>
    tpu.enqueue_dma source(%dma_start3A_11 : memref<2x128xi32, #tpu.memory_space<hbm>>) target(%arg5 : memref<2x128xi32, #tpu.memory_space<vmem>>) target_semaphore(%arg9 : memref<!tpu.dma_semaphore, #tpu.memory_space<semaphore_mem>>)
    %add3A_12 = arith.constant 0 : i32
    %add3A_13 = arith.addi %add3A, %add3A_12 : i32
    %ge3A_14 = arith.constant 2500 : i32
    %ge3A_15 = arith.cmpi sge, %add3A_13, %ge3A_14 : i32
    %sub3A_16 = arith.constant 2500 : i32
    %sub3A_17 = arith.subi %add3A_13, %sub3A_16 : i32
    %select_n3A_18 = arith.select %ge3A_15, %sub3A_17, %add3A_13 : i32
    %dma_wait3A = arith.constant 0 : i32
    %dma_wait3A_19 = arith.constant 0 : i32
    %dma_wait3A_20 = tpu.memref_slice %arg3[%select_n3A_18, %dma_wait3A, %dma_wait3A_19] : memref<2500x2x128xi32, #tpu.memory_space<hbm>> -> memref<1x2x128xi32, #tpu.memory_space<hbm>>
    %dma_wait3A_21 = tpu.memref_squeeze %dma_wait3A_20 : memref<1x2x128xi32, #tpu.memory_space<hbm>> -> memref<2x128xi32, #tpu.memory_space<hbm>>
    %dma_wait3A_22 = arith.constant 0 : i32
    %dma_wait3A_23 = arith.constant 0 : i32
    %dma_wait3A_24 = tpu.memref_slice %arg3[%select_n3A_18, %dma_wait3A_22, %dma_wait3A_23] : memref<2500x2x128xi32, #tpu.memory_space<hbm>> -> memref<1x2x128xi32, #tpu.memory_space<hbm>>
    %dma_wait3A_25 = tpu.memref_squeeze %dma_wait3A_24 : memref<1x2x128xi32, #tpu.memory_space<hbm>> -> memref<2x128xi32, #tpu.memory_space<hbm>>
    tpu.wait_dma2 semaphore(%arg9 : memref<!tpu.dma_semaphore, #tpu.memory_space<semaphore_mem>>) src(%dma_wait3A_25 : memref<2x128xi32, #tpu.memory_space<hbm>>) dst(%arg5 : memref<2x128xi32, #tpu.memory_space<vmem>>)
    %dma_start3A_26 = arith.constant 0 : i32
    %dma_start3A_27 = arith.constant 0 : i32
    %dma_start3A_28 = arith.constant 0 : i32
    %dma_start3A_29 = tpu.memref_slice %arg7[%dma_start3A_27, %dma_start3A_28] : memref<128x256xf32, #tpu.memory_space<vmem>> -> memref<128x128xf32, #tpu.memory_space<vmem>>
    %dma_start3A_30 = arith.constant 0 : i32
    %dma_start3A_31 = tpu.memref_slice %arg5[%dma_start3A_26, %dma_start3A_30] : memref<2x128xi32, #tpu.memory_space<vmem>> -> memref<1x128xi32, #tpu.memory_space<vmem>>
    %dma_start3A_32 = tpu.memref_squeeze %dma_start3A_31 : memref<1x128xi32, #tpu.memory_space<vmem>> -> memref<128xi32, #tpu.memory_space<vmem>>
    %dma_start3A_33 = arith.constant 0 : i32
    %dma_start3A_34 = arith.constant 0 : i32
    %dma_start3A_35 = tpu.memref_slice %arg2[%dma_start3A_33, %dma_start3A_34] : memref<10000x128xf32, #tpu.memory_space<hbm>> -> memref<10000x128xf32, #tpu.memory_space<hbm>>
    tpu.enqueue_indirect_dma source(%dma_start3A_35 : memref<10000x128xf32, #tpu.memory_space<hbm>>) target(%dma_start3A_29 : memref<128x128xf32, #tpu.memory_space<vmem>>) offsets(%dma_start3A_32 : memref<128xi32, #tpu.memory_space<vmem>>) semaphore(%arg10 : memref<!tpu.dma_semaphore, #tpu.memory_space<semaphore_mem>>)
    %dma_start3A_36 = arith.constant 1 : i32
    %dma_start3A_37 = arith.constant 0 : i32
    %dma_start3A_38 = arith.constant 128 : i32
    %dma_start3A_39 = tpu.memref_slice %arg7[%dma_start3A_37, %dma_start3A_38] : memref<128x256xf32, #tpu.memory_space<vmem>> -> memref<128x128xf32, #tpu.memory_space<vmem>>
    %dma_start3A_40 = arith.constant 0 : i32
    %dma_start3A_41 = tpu.memref_slice %arg5[%dma_start3A_36, %dma_start3A_40] : memref<2x128xi32, #tpu.memory_space<vmem>> -> memref<1x128xi32, #tpu.memory_space<vmem>>
    %dma_start3A_42 = tpu.memref_squeeze %dma_start3A_41 : memref<1x128xi32, #tpu.memory_space<vmem>> -> memref<128xi32, #tpu.memory_space<vmem>>
    %dma_start3A_43 = arith.constant 0 : i32
    %dma_start3A_44 = arith.constant 0 : i32
    %dma_start3A_45 = tpu.memref_slice %arg2[%dma_start3A_43, %dma_start3A_44] : memref<10000x128xf32, #tpu.memory_space<hbm>> -> memref<10000x128xf32, #tpu.memory_space<hbm>>
    tpu.enqueue_indirect_dma source(%dma_start3A_45 : memref<10000x128xf32, #tpu.memory_space<hbm>>) target(%dma_start3A_39 : memref<128x128xf32, #tpu.memory_space<vmem>>) offsets(%dma_start3A_42 : memref<128xi32, #tpu.memory_space<vmem>>) semaphore(%arg10 : memref<!tpu.dma_semaphore, #tpu.memory_space<semaphore_mem>>)
    %scan3A = arith.constant 0 : i32
    %scan3A_46 = arith.constant 0 : i32
    %scan3A_47 = arith.constant 40 : i32
    %scan3A_48 = arith.addi %scan3A_46, %scan3A_47 : i32
    %scan3A_49 = arith.constant 1 : i32
    scf.for %scan3A_64 = %scan3A_46 to %scan3A_48 step %scan3A_49  : i32 {
      %mul3A_65 = arith.constant 2 : i32
      %mul3A_66 = arith.muli %mul3A_65, %scan3A_64 : i32
      %add3A_67 = arith.constant 1 : i32
      %add3A_68 = arith.addi %mul3A_66, %add3A_67 : i32
      %mul3A_69 = arith.constant 32 : i32
      %mul3A_70 = arith.muli %add3A_68, %mul3A_69 : i32
      %add3A_71 = arith.addi %add3A, %mul3A_70 : i32
      %ge3A_72 = arith.constant 2500 : i32
      %ge3A_73 = arith.cmpi sge, %add3A_71, %ge3A_72 : i32
      %sub3A_74 = arith.constant 2500 : i32
      %sub3A_75 = arith.subi %add3A_71, %sub3A_74 : i32
      %select_n3A_76 = arith.select %ge3A_73, %sub3A_75, %add3A_71 : i32
      %dma_start3A_77 = arith.constant 0 : i32
      %dma_start3A_78 = arith.constant 0 : i32
      %dma_start3A_79 = tpu.memref_slice %arg3[%select_n3A_76, %dma_start3A_77, %dma_start3A_78] : memref<2500x2x128xi32, #tpu.memory_space<hbm>> -> memref<1x2x128xi32, #tpu.memory_space<hbm>>
      %dma_start3A_80 = tpu.memref_squeeze %dma_start3A_79 : memref<1x2x128xi32, #tpu.memory_space<hbm>> -> memref<2x128xi32, #tpu.memory_space<hbm>>
      %dma_start3A_81 = arith.constant 0 : i32
      %dma_start3A_82 = arith.constant 0 : i32
      %dma_start3A_83 = tpu.memref_slice %arg3[%select_n3A_76, %dma_start3A_81, %dma_start3A_82] : memref<2500x2x128xi32, #tpu.memory_space<hbm>> -> memref<1x2x128xi32, #tpu.memory_space<hbm>>
      %dma_start3A_84 = tpu.memref_squeeze %dma_start3A_83 : memref<1x2x128xi32, #tpu.memory_space<hbm>> -> memref<2x128xi32, #tpu.memory_space<hbm>>
      tpu.enqueue_dma source(%dma_start3A_84 : memref<2x128xi32, #tpu.memory_space<hbm>>) target(%arg6 : memref<2x128xi32, #tpu.memory_space<vmem>>) target_semaphore(%arg9 : memref<!tpu.dma_semaphore, #tpu.memory_space<semaphore_mem>>)
      %dma_wait3A_85 = arith.constant 0 : i32
      %dma_wait3A_86 = arith.constant 0 : i32
      %dma_wait3A_87 = arith.constant 0 : i32
      %dma_wait3A_88 = tpu.memref_slice %arg7[%dma_wait3A_86, %dma_wait3A_87] : memref<128x256xf32, #tpu.memory_space<vmem>> -> memref<128x128xf32, #tpu.memory_space<vmem>>
      %dma_wait3A_89 = arith.constant 0 : i32
      %dma_wait3A_90 = tpu.memref_slice %arg5[%dma_wait3A_85, %dma_wait3A_89] : memref<2x128xi32, #tpu.memory_space<vmem>> -> memref<1x128xi32, #tpu.memory_space<vmem>>
      %dma_wait3A_91 = tpu.memref_squeeze %dma_wait3A_90 : memref<1x128xi32, #tpu.memory_space<vmem>> -> memref<128xi32, #tpu.memory_space<vmem>>
      %dma_wait3A_92 = arith.constant 0 : i32
      %dma_wait3A_93 = arith.constant 0 : i32
      %dma_wait3A_94 = tpu.memref_slice %arg2[%dma_wait3A_92, %dma_wait3A_93] : memref<10000x128xf32, #tpu.memory_space<hbm>> -> memref<10000x128xf32, #tpu.memory_space<hbm>>
      tpu.wait_indirect_dma semaphore(%arg10 : memref<!tpu.dma_semaphore, #tpu.memory_space<semaphore_mem>>) src(%dma_wait3A_94 : memref<10000x128xf32, #tpu.memory_space<hbm>>) dst(%dma_wait3A_88 : memref<128x128xf32, #tpu.memory_space<vmem>>)
      %dma_wait3A_95 = arith.constant 1 : i32
      %dma_wait3A_96 = arith.constant 0 : i32
      %dma_wait3A_97 = arith.constant 128 : i32
      %dma_wait3A_98 = tpu.memref_slice %arg7[%dma_wait3A_96, %dma_wait3A_97] : memref<128x256xf32, #tpu.memory_space<vmem>> -> memref<128x128xf32, #tpu.memory_space<vmem>>
      %dma_wait3A_99 = arith.constant 0 : i32
      %dma_wait3A_100 = tpu.memref_slice %arg5[%dma_wait3A_95, %dma_wait3A_99] : memref<2x128xi32, #tpu.memory_space<vmem>> -> memref<1x128xi32, #tpu.memory_space<vmem>>
      %dma_wait3A_101 = tpu.memref_squeeze %dma_wait3A_100 : memref<1x128xi32, #tpu.memory_space<vmem>> -> memref<128xi32, #tpu.memory_space<vmem>>
      %dma_wait3A_102 = arith.constant 0 : i32
      %dma_wait3A_103 = arith.constant 0 : i32
      %dma_wait3A_104 = tpu.memref_slice %arg2[%dma_wait3A_102, %dma_wait3A_103] : memref<10000x128xf32, #tpu.memory_space<hbm>> -> memref<10000x128xf32, #tpu.memory_space<hbm>>
      tpu.wait_indirect_dma semaphore(%arg10 : memref<!tpu.dma_semaphore, #tpu.memory_space<semaphore_mem>>) src(%dma_wait3A_104 : memref<10000x128xf32, #tpu.memory_space<hbm>>) dst(%dma_wait3A_98 : memref<128x128xf32, #tpu.memory_space<vmem>>)
      %mul3A_105 = arith.constant 32 : i32
      %mul3A_106 = arith.muli %mul3A_66, %mul3A_105 : i32
      %add3A_107 = arith.addi %add3A, %mul3A_106 : i32
      %ge3A_108 = arith.constant 2500 : i32
      %ge3A_109 = arith.cmpi sge, %add3A_107, %ge3A_108 : i32
      %sub3A_110 = arith.constant 2500 : i32
      %sub3A_111 = arith.subi %add3A_107, %sub3A_110 : i32
      %select_n3A_112 = arith.select %ge3A_109, %sub3A_111, %add3A_107 : i32
      %mul3A_113 = arith.constant 128 : i32
      %mul3A_114 = arith.muli %select_n3A_112, %mul3A_113 : i32
      %dma_start3A_115 = arith.constant 128 : i32
      %dma_start3A_116 = tpu.memref_slice %arg4[%mul3A_114, %dma_start3A_115] : memref<320000x384xf32, #tpu.memory_space<hbm>> -> memref<128x256xf32, #tpu.memory_space<hbm>>
      %dma_start3A_117 = arith.constant 128 : i32
      %dma_start3A_118 = tpu.memref_slice %arg4[%mul3A_114, %dma_start3A_117] : memref<320000x384xf32, #tpu.memory_space<hbm>> -> memref<128x256xf32, #tpu.memory_space<hbm>>
      tpu.enqueue_dma source(%arg7 : memref<128x256xf32, #tpu.memory_space<vmem>>) target(%dma_start3A_118 : memref<128x256xf32, #tpu.memory_space<hbm>>) target_semaphore(%arg12 : memref<!tpu.dma_semaphore, #tpu.memory_space<semaphore_mem>>)
      %gt3A = arith.constant 0 : i32
      %gt3A_119 = arith.cmpi sgt, %scan3A_64, %gt3A : i32
      %convert_element_type3A = arith.extui %gt3A_119 : i1 to i32
      %cond3A = arith.constant 0 : i32
      %cond3A_120 = arith.cmpi ne, %convert_element_type3A, %cond3A : i32
      scf.if %cond3A_120 {
        %sub3A_214 = arith.constant 1 : i32
        %sub3A_215 = arith.subi %mul3A_66, %sub3A_214 : i32
        %mul3A_216 = arith.constant 32 : i32
        %mul3A_217 = arith.muli %sub3A_215, %mul3A_216 : i32
        %add3A_218 = arith.addi %add3A, %mul3A_217 : i32
        %ge3A_219 = arith.constant 2500 : i32
        %ge3A_220 = arith.cmpi sge, %add3A_218, %ge3A_219 : i32
        %sub3A_221 = arith.constant 2500 : i32
        %sub3A_222 = arith.subi %add3A_218, %sub3A_221 : i32
        %select_n3A_223 = arith.select %ge3A_220, %sub3A_222, %add3A_218 : i32
        %mul3A_224 = arith.constant 128 : i32
        %mul3A_225 = arith.muli %select_n3A_223, %mul3A_224 : i32
        %dma_wait3A_226 = arith.constant 128 : i32
        %dma_wait3A_227 = tpu.memref_slice %arg4[%mul3A_225, %dma_wait3A_226] : memref<320000x384xf32, #tpu.memory_space<hbm>> -> memref<128x256xf32, #tpu.memory_space<hbm>>
        %dma_wait3A_228 = arith.constant 128 : i32
        %dma_wait3A_229 = tpu.memref_slice %arg4[%mul3A_225, %dma_wait3A_228] : memref<320000x384xf32, #tpu.memory_space<hbm>> -> memref<128x256xf32, #tpu.memory_space<hbm>>
        tpu.wait_dma2 semaphore(%arg13 : memref<!tpu.dma_semaphore, #tpu.memory_space<semaphore_mem>>) src(%arg8 : memref<128x256xf32, #tpu.memory_space<vmem>>) dst(%dma_wait3A_229 : memref<128x256xf32, #tpu.memory_space<hbm>>)
      } else {
      }
      %mul3A_121 = arith.constant 32 : i32
      %mul3A_122 = arith.muli %add3A_68, %mul3A_121 : i32
      %add3A_123 = arith.addi %add3A, %mul3A_122 : i32
      %ge3A_124 = arith.constant 2500 : i32
      %ge3A_125 = arith.cmpi sge, %add3A_123, %ge3A_124 : i32
      %sub3A_126 = arith.constant 2500 : i32
      %sub3A_127 = arith.subi %add3A_123, %sub3A_126 : i32
      %select_n3A_128 = arith.select %ge3A_125, %sub3A_127, %add3A_123 : i32
      %dma_wait3A_129 = arith.constant 0 : i32
      %dma_wait3A_130 = arith.constant 0 : i32
      %dma_wait3A_131 = tpu.memref_slice %arg3[%select_n3A_128, %dma_wait3A_129, %dma_wait3A_130] : memref<2500x2x128xi32, #tpu.memory_space<hbm>> -> memref<1x2x128xi32, #tpu.memory_space<hbm>>
      %dma_wait3A_132 = tpu.memref_squeeze %dma_wait3A_131 : memref<1x2x128xi32, #tpu.memory_space<hbm>> -> memref<2x128xi32, #tpu.memory_space<hbm>>
      %dma_wait3A_133 = arith.constant 0 : i32
      %dma_wait3A_134 = arith.constant 0 : i32
      %dma_wait3A_135 = tpu.memref_slice %arg3[%select_n3A_128, %dma_wait3A_133, %dma_wait3A_134] : memref<2500x2x128xi32, #tpu.memory_space<hbm>> -> memref<1x2x128xi32, #tpu.memory_space<hbm>>
      %dma_wait3A_136 = tpu.memref_squeeze %dma_wait3A_135 : memref<1x2x128xi32, #tpu.memory_space<hbm>> -> memref<2x128xi32, #tpu.memory_space<hbm>>
      tpu.wait_dma2 semaphore(%arg9 : memref<!tpu.dma_semaphore, #tpu.memory_space<semaphore_mem>>) src(%dma_wait3A_136 : memref<2x128xi32, #tpu.memory_space<hbm>>) dst(%arg6 : memref<2x128xi32, #tpu.memory_space<vmem>>)
      %dma_start3A_137 = arith.constant 0 : i32
      %dma_start3A_138 = arith.constant 0 : i32
      %dma_start3A_139 = arith.constant 0 : i32
      %dma_start3A_140 = tpu.memref_slice %arg8[%dma_start3A_138, %dma_start3A_139] : memref<128x256xf32, #tpu.memory_space<vmem>> -> memref<128x128xf32, #tpu.memory_space<vmem>>
      %dma_start3A_141 = arith.constant 0 : i32
      %dma_start3A_142 = tpu.memref_slice %arg6[%dma_start3A_137, %dma_start3A_141] : memref<2x128xi32, #tpu.memory_space<vmem>> -> memref<1x128xi32, #tpu.memory_space<vmem>>
      %dma_start3A_143 = tpu.memref_squeeze %dma_start3A_142 : memref<1x128xi32, #tpu.memory_space<vmem>> -> memref<128xi32, #tpu.memory_space<vmem>>
      %dma_start3A_144 = arith.constant 0 : i32
      %dma_start3A_145 = arith.constant 0 : i32
      %dma_start3A_146 = tpu.memref_slice %arg2[%dma_start3A_144, %dma_start3A_145] : memref<10000x128xf32, #tpu.memory_space<hbm>> -> memref<10000x128xf32, #tpu.memory_space<hbm>>
      tpu.enqueue_indirect_dma source(%dma_start3A_146 : memref<10000x128xf32, #tpu.memory_space<hbm>>) target(%dma_start3A_140 : memref<128x128xf32, #tpu.memory_space<vmem>>) offsets(%dma_start3A_143 : memref<128xi32, #tpu.memory_space<vmem>>) semaphore(%arg11 : memref<!tpu.dma_semaphore, #tpu.memory_space<semaphore_mem>>)
      %dma_start3A_147 = arith.constant 1 : i32
      %dma_start3A_148 = arith.constant 0 : i32
      %dma_start3A_149 = arith.constant 128 : i32
      %dma_start3A_150 = tpu.memref_slice %arg8[%dma_start3A_148, %dma_start3A_149] : memref<128x256xf32, #tpu.memory_space<vmem>> -> memref<128x128xf32, #tpu.memory_space<vmem>>
      %dma_start3A_151 = arith.constant 0 : i32
      %dma_start3A_152 = tpu.memref_slice %arg6[%dma_start3A_147, %dma_start3A_151] : memref<2x128xi32, #tpu.memory_space<vmem>> -> memref<1x128xi32, #tpu.memory_space<vmem>>
      %dma_start3A_153 = tpu.memref_squeeze %dma_start3A_152 : memref<1x128xi32, #tpu.memory_space<vmem>> -> memref<128xi32, #tpu.memory_space<vmem>>
      %dma_start3A_154 = arith.constant 0 : i32
      %dma_start3A_155 = arith.constant 0 : i32
      %dma_start3A_156 = tpu.memref_slice %arg2[%dma_start3A_154, %dma_start3A_155] : memref<10000x128xf32, #tpu.memory_space<hbm>> -> memref<10000x128xf32, #tpu.memory_space<hbm>>
      tpu.enqueue_indirect_dma source(%dma_start3A_156 : memref<10000x128xf32, #tpu.memory_space<hbm>>) target(%dma_start3A_150 : memref<128x128xf32, #tpu.memory_space<vmem>>) offsets(%dma_start3A_153 : memref<128xi32, #tpu.memory_space<vmem>>) semaphore(%arg11 : memref<!tpu.dma_semaphore, #tpu.memory_space<semaphore_mem>>)
      %lt3A = arith.constant 39 : i32
      %lt3A_157 = arith.cmpi slt, %scan3A_64, %lt3A : i32
      %convert_element_type3A_158 = arith.extui %lt3A_157 : i1 to i32
      %cond3A_159 = arith.constant 0 : i32
      %cond3A_160 = arith.cmpi ne, %convert_element_type3A_158, %cond3A_159 : i32
      scf.if %cond3A_160 {
        %add3A_214 = arith.constant 1 : i32
        %add3A_215 = arith.addi %add3A_68, %add3A_214 : i32
        %mul3A_216 = arith.constant 32 : i32
        %mul3A_217 = arith.muli %add3A_215, %mul3A_216 : i32
        %add3A_218 = arith.addi %add3A, %mul3A_217 : i32
        %ge3A_219 = arith.constant 2500 : i32
        %ge3A_220 = arith.cmpi sge, %add3A_218, %ge3A_219 : i32
        %sub3A_221 = arith.constant 2500 : i32
        %sub3A_222 = arith.subi %add3A_218, %sub3A_221 : i32
        %select_n3A_223 = arith.select %ge3A_220, %sub3A_222, %add3A_218 : i32
        %dma_start3A_224 = arith.constant 0 : i32
        %dma_start3A_225 = arith.constant 0 : i32
        %dma_start3A_226 = tpu.memref_slice %arg3[%select_n3A_223, %dma_start3A_224, %dma_start3A_225] : memref<2500x2x128xi32, #tpu.memory_space<hbm>> -> memref<1x2x128xi32, #tpu.memory_space<hbm>>
        %dma_start3A_227 = tpu.memref_squeeze %dma_start3A_226 : memref<1x2x128xi32, #tpu.memory_space<hbm>> -> memref<2x128xi32, #tpu.memory_space<hbm>>
        %dma_start3A_228 = arith.constant 0 : i32
        %dma_start3A_229 = arith.constant 0 : i32
        %dma_start3A_230 = tpu.memref_slice %arg3[%select_n3A_223, %dma_start3A_228, %dma_start3A_229] : memref<2500x2x128xi32, #tpu.memory_space<hbm>> -> memref<1x2x128xi32, #tpu.memory_space<hbm>>
        %dma_start3A_231 = tpu.memref_squeeze %dma_start3A_230 : memref<1x2x128xi32, #tpu.memory_space<hbm>> -> memref<2x128xi32, #tpu.memory_space<hbm>>
        tpu.enqueue_dma source(%dma_start3A_231 : memref<2x128xi32, #tpu.memory_space<hbm>>) target(%arg5 : memref<2x128xi32, #tpu.memory_space<vmem>>) target_semaphore(%arg9 : memref<!tpu.dma_semaphore, #tpu.memory_space<semaphore_mem>>)
      } else {
      }
      %dma_wait3A_161 = arith.constant 0 : i32
      %dma_wait3A_162 = arith.constant 0 : i32
      %dma_wait3A_163 = arith.constant 0 : i32
      %dma_wait3A_164 = tpu.memref_slice %arg8[%dma_wait3A_162, %dma_wait3A_163] : memref<128x256xf32, #tpu.memory_space<vmem>> -> memref<128x128xf32, #tpu.memory_space<vmem>>
      %dma_wait3A_165 = arith.constant 0 : i32
      %dma_wait3A_166 = tpu.memref_slice %arg6[%dma_wait3A_161, %dma_wait3A_165] : memref<2x128xi32, #tpu.memory_space<vmem>> -> memref<1x128xi32, #tpu.memory_space<vmem>>
      %dma_wait3A_167 = tpu.memref_squeeze %dma_wait3A_166 : memref<1x128xi32, #tpu.memory_space<vmem>> -> memref<128xi32, #tpu.memory_space<vmem>>
      %dma_wait3A_168 = arith.constant 0 : i32
      %dma_wait3A_169 = arith.constant 0 : i32
      %dma_wait3A_170 = tpu.memref_slice %arg2[%dma_wait3A_168, %dma_wait3A_169] : memref<10000x128xf32, #tpu.memory_space<hbm>> -> memref<10000x128xf32, #tpu.memory_space<hbm>>
      tpu.wait_indirect_dma semaphore(%arg11 : memref<!tpu.dma_semaphore, #tpu.memory_space<semaphore_mem>>) src(%dma_wait3A_170 : memref<10000x128xf32, #tpu.memory_space<hbm>>) dst(%dma_wait3A_164 : memref<128x128xf32, #tpu.memory_space<vmem>>)
      %dma_wait3A_171 = arith.constant 1 : i32
      %dma_wait3A_172 = arith.constant 0 : i32
      %dma_wait3A_173 = arith.constant 128 : i32
      %dma_wait3A_174 = tpu.memref_slice %arg8[%dma_wait3A_172, %dma_wait3A_173] : memref<128x256xf32, #tpu.memory_space<vmem>> -> memref<128x128xf32, #tpu.memory_space<vmem>>
      %dma_wait3A_175 = arith.constant 0 : i32
      %dma_wait3A_176 = tpu.memref_slice %arg6[%dma_wait3A_171, %dma_wait3A_175] : memref<2x128xi32, #tpu.memory_space<vmem>> -> memref<1x128xi32, #tpu.memory_space<vmem>>
      %dma_wait3A_177 = tpu.memref_squeeze %dma_wait3A_176 : memref<1x128xi32, #tpu.memory_space<vmem>> -> memref<128xi32, #tpu.memory_space<vmem>>
      %dma_wait3A_178 = arith.constant 0 : i32
      %dma_wait3A_179 = arith.constant 0 : i32
      %dma_wait3A_180 = tpu.memref_slice %arg2[%dma_wait3A_178, %dma_wait3A_179] : memref<10000x128xf32, #tpu.memory_space<hbm>> -> memref<10000x128xf32, #tpu.memory_space<hbm>>
      tpu.wait_indirect_dma semaphore(%arg11 : memref<!tpu.dma_semaphore, #tpu.memory_space<semaphore_mem>>) src(%dma_wait3A_180 : memref<10000x128xf32, #tpu.memory_space<hbm>>) dst(%dma_wait3A_174 : memref<128x128xf32, #tpu.memory_space<vmem>>)
      %mul3A_181 = arith.constant 32 : i32
      %mul3A_182 = arith.muli %add3A_68, %mul3A_181 : i32
      %add3A_183 = arith.addi %add3A, %mul3A_182 : i32
      %ge3A_184 = arith.constant 2500 : i32
      %ge3A_185 = arith.cmpi sge, %add3A_183, %ge3A_184 : i32
      %sub3A_186 = arith.constant 2500 : i32
      %sub3A_187 = arith.subi %add3A_183, %sub3A_186 : i32
      %select_n3A_188 = arith.select %ge3A_185, %sub3A_187, %add3A_183 : i32
      %mul3A_189 = arith.constant 128 : i32
      %mul3A_190 = arith.muli %select_n3A_188, %mul3A_189 : i32
      %dma_start3A_191 = arith.constant 128 : i32
      %dma_start3A_192 = tpu.memref_slice %arg4[%mul3A_190, %dma_start3A_191] : memref<320000x384xf32, #tpu.memory_space<hbm>> -> memref<128x256xf32, #tpu.memory_space<hbm>>
      %dma_start3A_193 = arith.constant 128 : i32
      %dma_start3A_194 = tpu.memref_slice %arg4[%mul3A_190, %dma_start3A_193] : memref<320000x384xf32, #tpu.memory_space<hbm>> -> memref<128x256xf32, #tpu.memory_space<hbm>>
      tpu.enqueue_dma source(%arg8 : memref<128x256xf32, #tpu.memory_space<vmem>>) target(%dma_start3A_194 : memref<128x256xf32, #tpu.memory_space<hbm>>) target_semaphore(%arg13 : memref<!tpu.dma_semaphore, #tpu.memory_space<semaphore_mem>>)
      %mul3A_195 = arith.constant 32 : i32
      %mul3A_196 = arith.muli %mul3A_66, %mul3A_195 : i32
      %add3A_197 = arith.addi %add3A, %mul3A_196 : i32
      %ge3A_198 = arith.constant 2500 : i32
      %ge3A_199 = arith.cmpi sge, %add3A_197, %ge3A_198 : i32
      %sub3A_200 = arith.constant 2500 : i32
      %sub3A_201 = arith.subi %add3A_197, %sub3A_200 : i32
      %select_n3A_202 = arith.select %ge3A_199, %sub3A_201, %add3A_197 : i32
      %mul3A_203 = arith.constant 128 : i32
      %mul3A_204 = arith.muli %select_n3A_202, %mul3A_203 : i32
      %dma_wait3A_205 = arith.constant 128 : i32
      %dma_wait3A_206 = tpu.memref_slice %arg4[%mul3A_204, %dma_wait3A_205] : memref<320000x384xf32, #tpu.memory_space<hbm>> -> memref<128x256xf32, #tpu.memory_space<hbm>>
      %dma_wait3A_207 = arith.constant 128 : i32
      %dma_wait3A_208 = tpu.memref_slice %arg4[%mul3A_204, %dma_wait3A_207] : memref<320000x384xf32, #tpu.memory_space<hbm>> -> memref<128x256xf32, #tpu.memory_space<hbm>>
      tpu.wait_dma2 semaphore(%arg12 : memref<!tpu.dma_semaphore, #tpu.memory_space<semaphore_mem>>) src(%arg7 : memref<128x256xf32, #tpu.memory_space<vmem>>) dst(%dma_wait3A_208 : memref<128x256xf32, #tpu.memory_space<hbm>>)
      %lt3A_209 = arith.constant 39 : i32
      %lt3A_210 = arith.cmpi slt, %scan3A_64, %lt3A_209 : i32
      %convert_element_type3A_211 = arith.extui %lt3A_210 : i1 to i32
      %cond3A_212 = arith.constant 0 : i32
      %cond3A_213 = arith.cmpi ne, %convert_element_type3A_211, %cond3A_212 : i32
      scf.if %cond3A_213 {
        %add3A_214 = arith.constant 1 : i32
        %add3A_215 = arith.addi %add3A_68, %add3A_214 : i32
        %mul3A_216 = arith.constant 32 : i32
        %mul3A_217 = arith.muli %add3A_215, %mul3A_216 : i32
        %add3A_218 = arith.addi %add3A, %mul3A_217 : i32
        %ge3A_219 = arith.constant 2500 : i32
        %ge3A_220 = arith.cmpi sge, %add3A_218, %ge3A_219 : i32
        %sub3A_221 = arith.constant 2500 : i32
        %sub3A_222 = arith.subi %add3A_218, %sub3A_221 : i32
        %select_n3A_223 = arith.select %ge3A_220, %sub3A_222, %add3A_218 : i32
        %dma_wait3A_224 = arith.constant 0 : i32
        %dma_wait3A_225 = arith.constant 0 : i32
        %dma_wait3A_226 = tpu.memref_slice %arg3[%select_n3A_223, %dma_wait3A_224, %dma_wait3A_225] : memref<2500x2x128xi32, #tpu.memory_space<hbm>> -> memref<1x2x128xi32, #tpu.memory_space<hbm>>
        %dma_wait3A_227 = tpu.memref_squeeze %dma_wait3A_226 : memref<1x2x128xi32, #tpu.memory_space<hbm>> -> memref<2x128xi32, #tpu.memory_space<hbm>>
        %dma_wait3A_228 = arith.constant 0 : i32
        %dma_wait3A_229 = arith.constant 0 : i32
        %dma_wait3A_230 = tpu.memref_slice %arg3[%select_n3A_223, %dma_wait3A_228, %dma_wait3A_229] : memref<2500x2x128xi32, #tpu.memory_space<hbm>> -> memref<1x2x128xi32, #tpu.memory_space<hbm>>
        %dma_wait3A_231 = tpu.memref_squeeze %dma_wait3A_230 : memref<1x2x128xi32, #tpu.memory_space<hbm>> -> memref<2x128xi32, #tpu.memory_space<hbm>>
        tpu.wait_dma2 semaphore(%arg9 : memref<!tpu.dma_semaphore, #tpu.memory_space<semaphore_mem>>) src(%dma_wait3A_231 : memref<2x128xi32, #tpu.memory_space<hbm>>) dst(%arg5 : memref<2x128xi32, #tpu.memory_space<vmem>>)
        %add3A_232 = arith.constant 1 : i32
        %add3A_233 = arith.addi %add3A_68, %add3A_232 : i32
        %dma_start3A_234 = arith.constant 0 : i32
        %dma_start3A_235 = arith.constant 0 : i32
        %dma_start3A_236 = arith.constant 0 : i32
        %dma_start3A_237 = tpu.memref_slice %arg7[%dma_start3A_235, %dma_start3A_236] : memref<128x256xf32, #tpu.memory_space<vmem>> -> memref<128x128xf32, #tpu.memory_space<vmem>>
        %dma_start3A_238 = arith.constant 0 : i32
        %dma_start3A_239 = tpu.memref_slice %arg5[%dma_start3A_234, %dma_start3A_238] : memref<2x128xi32, #tpu.memory_space<vmem>> -> memref<1x128xi32, #tpu.memory_space<vmem>>
        %dma_start3A_240 = tpu.memref_squeeze %dma_start3A_239 : memref<1x128xi32, #tpu.memory_space<vmem>> -> memref<128xi32, #tpu.memory_space<vmem>>
        %dma_start3A_241 = arith.constant 0 : i32
        %dma_start3A_242 = arith.constant 0 : i32
        %dma_start3A_243 = tpu.memref_slice %arg2[%dma_start3A_241, %dma_start3A_242] : memref<10000x128xf32, #tpu.memory_space<hbm>> -> memref<10000x128xf32, #tpu.memory_space<hbm>>
        tpu.enqueue_indirect_dma source(%dma_start3A_243 : memref<10000x128xf32, #tpu.memory_space<hbm>>) target(%dma_start3A_237 : memref<128x128xf32, #tpu.memory_space<vmem>>) offsets(%dma_start3A_240 : memref<128xi32, #tpu.memory_space<vmem>>) semaphore(%arg10 : memref<!tpu.dma_semaphore, #tpu.memory_space<semaphore_mem>>)
        %dma_start3A_244 = arith.constant 1 : i32
        %dma_start3A_245 = arith.constant 0 : i32
        %dma_start3A_246 = arith.constant 128 : i32
        %dma_start3A_247 = tpu.memref_slice %arg7[%dma_start3A_245, %dma_start3A_246] : memref<128x256xf32, #tpu.memory_space<vmem>> -> memref<128x128xf32, #tpu.memory_space<vmem>>
        %dma_start3A_248 = arith.constant 0 : i32
        %dma_start3A_249 = tpu.memref_slice %arg5[%dma_start3A_244, %dma_start3A_248] : memref<2x128xi32, #tpu.memory_space<vmem>> -> memref<1x128xi32, #tpu.memory_space<vmem>>
        %dma_start3A_250 = tpu.memref_squeeze %dma_start3A_249 : memref<1x128xi32, #tpu.memory_space<vmem>> -> memref<128xi32, #tpu.memory_space<vmem>>
        %dma_start3A_251 = arith.constant 0 : i32
        %dma_start3A_252 = arith.constant 0 : i32
        %dma_start3A_253 = tpu.memref_slice %arg2[%dma_start3A_251, %dma_start3A_252] : memref<10000x128xf32, #tpu.memory_space<hbm>> -> memref<10000x128xf32, #tpu.memory_space<hbm>>
        tpu.enqueue_indirect_dma source(%dma_start3A_253 : memref<10000x128xf32, #tpu.memory_space<hbm>>) target(%dma_start3A_247 : memref<128x128xf32, #tpu.memory_space<vmem>>) offsets(%dma_start3A_250 : memref<128xi32, #tpu.memory_space<vmem>>) semaphore(%arg10 : memref<!tpu.dma_semaphore, #tpu.memory_space<semaphore_mem>>)
      } else {
      }
    }
    %scan3A_50 = arith.constant 40 : i32
    %add3A_51 = arith.constant 2528 : i32
    %add3A_52 = arith.addi %add3A, %add3A_51 : i32
    %ge3A_53 = arith.constant 2500 : i32
    %ge3A_54 = arith.cmpi sge, %add3A_52, %ge3A_53 : i32
    %sub3A_55 = arith.constant 2500 : i32
    %sub3A_56 = arith.subi %add3A_52, %sub3A_55 : i32
    %select_n3A_57 = arith.select %ge3A_54, %sub3A_56, %add3A_52 : i32
    %mul3A_58 = arith.constant 128 : i32
    %mul3A_59 = arith.muli %select_n3A_57, %mul3A_58 : i32
    %dma_wait3A_60 = arith.constant 128 : i32
    %dma_wait3A_61 = tpu.memref_slice %arg4[%mul3A_59, %dma_wait3A_60] : memref<320000x384xf32, #tpu.memory_space<hbm>> -> memref<128x256xf32, #tpu.memory_space<hbm>>
    %dma_wait3A_62 = arith.constant 128 : i32
    %dma_wait3A_63 = tpu.memref_slice %arg4[%mul3A_59, %dma_wait3A_62] : memref<320000x384xf32, #tpu.memory_space<hbm>> -> memref<128x256xf32, #tpu.memory_space<hbm>>
    tpu.wait_dma2 semaphore(%arg13 : memref<!tpu.dma_semaphore, #tpu.memory_space<semaphore_mem>>) src(%arg8 : memref<128x256xf32, #tpu.memory_space<vmem>>) dst(%dma_wait3A_63 : memref<128x256xf32, #tpu.memory_space<hbm>>)
    return
  }
}

module attributes {stable_mosaic.version = 14 : i64} {
  func.func @_edge_band_copy(%arg0: i32, %arg1: memref<1000x128xf32, #tpu.memory_space<vmem>>, %arg2: memref<320000x384xf32, #tpu.memory_space<any>>, %arg3: memref<1000x128xf32, #tpu.memory_space<vmem>>) attributes {dimension_semantics = [#tpu.dimension_semantics<arbitrary>], iteration_bounds = array<i64: 320>, scalar_prefetch = 0 : i64, scratch_operands = 0 : i64, tpu.core_type = #tpu.core_type<tc>, window_params = [{transform_indices = @transform_0, window_bounds = array<i64: 1000, 128>}, {}, {transform_indices = @transform_2, window_bounds = array<i64: 1000, 128>}]} {
    %get3A = arith.constant 0 : index
    %get3A_0 = arith.constant 0 : index
    %get3A_1 = vector.load %arg1[%get3A, %get3A_0] : memref<1000x128xf32, #tpu.memory_space<vmem>>, vector<1000x128xf32>
    %swap3A = arith.constant 0 : index
    %swap3A_2 = arith.constant 0 : index
    %swap3A_3 = vector.load %arg3[%swap3A, %swap3A_2] : memref<1000x128xf32, #tpu.memory_space<vmem>>, vector<1000x128xf32>
    tpu.vector_store %arg3[%swap3A, %swap3A_2], %get3A_1 {strides = array<i32>} : memref<1000x128xf32, #tpu.memory_space<vmem>>, vector<1000x128xf32>,
    return
  }
  func.func @transform_0(%arg0: i32) -> (i32, i32) {
    %c0_i32 = arith.constant 0 : i32
    %c0_i32_0 = arith.constant 0 : i32
    return %arg0, %c0_i32 : i32, i32
  }
  func.func @transform_2(%arg0: i32) -> (i32, i32) {
    %c0_i32 = arith.constant 0 : i32
    %c0_i32_0 = arith.constant 0 : i32
    return %arg0, %c0_i32 : i32, i32
  }
}

</mosaic_0001>

<sc_bundles>
// kernel: kernel.4.cloned.1.call-start
scs
__scs_entry_jumppad:
0x0: {  	(pc) =	sbr.rel $0x88, $3  }
0x1: {  	(tag) =	ssettag $0x0;
	lr =	simm.s32 $0x1  }
0x2: {  	[smem:$0x3F9E] =	sst lr;
	_ =	strace $0xD0000000  }
0x3: {  	_ = 	snop  }
0x4: {  	_ = 	snop  }
0x5: {  	_ = 	snop  }
0x6: {  	_ = 	snop  }
0x7: {  	_ = 	snop  }
__scs_overlays_trampoline_lowered:
0x8: {  	[smem:$0x3FAD] =	sst s0  }
0x9: {  	[smem:$0x3FAE] =	sst s1  }
0xa: {  	[smem:$0x3FAF] =	sst s2  }
0xb: {  	[smem:$0x3FB0] =	sst s3  }
0xc: {  	[smem:$0x3FB1] =	sst s4  }
0xd: {  	[smem:$0x3FB2] =	sst s5  }
0xe: {  	[smem:$0x3FB3] =	sst s6  }
0xf: {  	[smem:$0x3FB4] =	sst s7  }
0x10: {  	[smem:$0x3FB5] =	sst s8  }
0x11: {  	[smem:$0x3FB6] =	sst s9;
	s0 =	simm.s32 @!p0 $0x0  }
0x12: {  	s1 =	sld [smem:$0x3F9C];
	s0 =	simm.s32 @p0 $0x1  }
0x13: {  	[smem:$0x3FB7] =	sst s0;
	s0 =	simm.s32 @!p1 $0x0  }
0x14: {  	s2 =	sld [smem:$0x3F9B];
	s0 =	simm.s32 @p1 $0x1  }
0x15: {  	[smem:$0x3FB8] =	sst s0;
	s0 =	simm.s32 @!p2 $0x0  }
0x16: {  	s3 =	sld [smem:$0x3FDB];
	s0 =	simm.s32 @p2 $0x1  }
0x17: {  	s4 =	simm.s32 $0x1BF5;
	[smem:$0x3FBA] =	sst s0  }
0x18: {  	s0 =	sld [smem:$0x3F9D];
	_ =	swait.ge [sflag:s4], $0x0  }
0x19: {  	s7 =	sld [smem:$0x3F9E]  }
0x1a: {  	s8 =	sadd.s32 $0xFFFFE003, lr  }
0x1b: {  	s9 =	sadd.s32 $0xFFFFFEF7, lr;
	s5 =	simm.s32 $0xFFFFFFFF;
	p2 =	slt.u32 s8, $0xFFFFF086  }
0x1c: {  	p1 =	slt.u32 s9, $0xF7A;
	s5 =	simm.s32 @!p2 $0x0  }
0x1d: {  	s5 =	simm.s32 @p1 $0x1;
	p0 =	seq.s32 s7, s2  }
0x1e: {  	s7 =	smul.u32 @!p0 $0xF7A, s2;
	p2 =	seq.s32 @!p0 s5, $0x0  }
0x1f: {  	s9 =	smul.u32 $0xF7A, s1;
	s8 =	simm.s32 @!p0 $0x1BF5;
	p2 =	por !p2, p0  }
0x20: {  	[sflag:s8] =	ssyncset.s32 @!p0 $0xFFFFF086;
	s6 =	sadd.s32 @!p0 s3, s7;
	s7 =	simm.s32 @!p0 $0x108  }
0x21: {  	s3 =	sadd.s32 s3, s9;
	s6 =	sadd.s32 @!p0 $0x88, s6;
	s7 =	simm.s32 @p2 $0x1082  }
0x22: {  	[simem:s7], [sflag:s8] =	dma.local @!p0 [hbm:s6], $0xF7A  }
0x23: {  	s9 =	sor.u32 $0xD0000000, s2;
	s6 =	simm.s32 $0x108;
	_ =	swait.ge @!p0 [sflag:s8], $0x0  }
0x24: {  	s3 =	sadd.s32 $0x88, s3;
	s6 =	simm.s32 @!p1 $0x1082;
	[sflag:s4] =	ssyncset.s32 $0xFFFFF086  }
0x25: {  	[simem:s6], [sflag:s4] =	dma.local [hbm:s3], $0xF7A  }
0x26: {  	[smem:$0x3F9E] =	sst s1;
	(tag) =	ssettag s2;
	_ =	strace s9  }
0x27: {  	s1 =	sld [smem:$0x3FAE]  }
0x28: {  	s2 =	sld [smem:$0x3FAF]  }
0x29: {  	s4 =	sld [smem:$0x3FB1]  }
0x2a: {  	p0 =	seq.s32 s5, $0x0;
	s5 =	sld [smem:$0x3FB2]  }
0x2b: {  	s6 =	sld [smem:$0x3FB3]  }
0x2c: {  	s7 =	sld [smem:$0x3FB4]  }
0x2d: {  	s3 =	simm.s32 $0x108;
	s8 =	sld [smem:$0x3FB5]  }
0x2e: {  	s3 =	simm.s32 @!p0 $0x1082;
	s9 =	sld [smem:$0x3FB6]  }
0x2f: {  	lr =	sadd.s32 s0, s3;
	s0 =	sld [smem:$0x3FAD]  }
0x30: {  	s3 =	sld [smem:$0x3FB0]  }
0x31: {  	[smem:$0x3FB9] =	sst s10  }
0x32: {  	s10 =	sld [smem:$0x3FB7];
	_ =	sdelay $0x3  }
0x33: {  	p0 =	seq.s32 s10, $0x1;
	s10 =	sld [smem:$0x3FB9];
	_ =	sdelay $0x3  }
0x34: {  	[smem:$0x3FB9] =	sst s10  }
0x35: {  	s10 =	sld [smem:$0x3FB8];
	_ =	sdelay $0x3  }
0x36: {  	p1 =	seq.s32 s10, $0x1;
	s10 =	sld [smem:$0x3FB9];
	_ =	sdelay $0x3  }
0x37: {  	[smem:$0x3FB9] =	sst s10  }
0x38: {  	s10 =	sld [smem:$0x3FBA]  }
0x39: {  	_ = 	snop;
	(pc) =	sbr.ind lr, $3  }
0x3a: {  	_ = 	snop  }
0x3b: {  	_ = 	snop  }
0x3c: {  	p2 =	seq.s32 s10, $0x1;
	s10 =	sld [smem:$0x3FB9]  }
0x3d: {  	_ =	shalt  }
0x3e: {  	_ =	shalt  }
0x3f: {  	_ =	shalt  }
0x40: {  	_ =	shalt  }
0x41: {  	_ =	shalt  }
0x42: {  	_ =	shalt  }
0x43: {  	_ =	shalt  }
0x44: {  	_ =	shalt  }
0x45: {  	_ =	shalt  }
0x46: {  	_ =	shalt  }
0x47: {  	_ =	shalt  }
0x48: {  	_ =	shalt  }
0x49: {  	_ =	shalt  }
0x4a: {  	_ =	shalt  }
0x4b: {  	_ =	shalt  }
0x4c: {  	_ =	shalt  }
0x4d: {  	_ =	shalt  }
0x4e: {  	_ =	shalt  }
0x4f: {  	_ =	shalt  }
0x50: {  	_ =	shalt  }
0x51: {  	_ =	shalt  }
0x52: {  	_ =	shalt  }
0x53: {  	_ =	shalt  }
0x54: {  	_ =	shalt  }
0x55: {  	_ =	shalt  }
0x56: {  	_ =	shalt  }
0x57: {  	_ =	shalt  }
0x58: {  	_ =	shalt  }
0x59: {  	_ =	shalt  }
0x5a: {  	_ =	shalt  }
0x5b: {  	_ =	shalt  }
0x5c: {  	_ =	shalt  }
0x5d: {  	_ =	shalt  }
0x5e: {  	_ =	shalt  }
0x5f: {  	_ =	shalt  }
0x60: {  	_ =	shalt  }
0x61: {  	_ =	shalt  }
0x62: {  	_ =	shalt  }
0x63: {  	_ =	shalt  }
0x64: {  	_ =	shalt  }
0x65: {  	_ =	shalt  }
0x66: {  	_ =	shalt  }
0x67: {  	_ =	shalt  }
0x68: {  	_ =	shalt  }
0x69: {  	_ =	shalt  }
0x6a: {  	_ =	shalt  }
0x6b: {  	_ =	shalt  }
0x6c: {  	_ =	shalt  }
0x6d: {  	_ =	shalt  }
0x6e: {  	_ =	shalt  }
0x6f: {  	_ =	shalt  }
0x70: {  	_ =	shalt  }
0x71: {  	_ =	shalt  }
0x72: {  	_ =	shalt  }
0x73: {  	_ =	shalt  }
0x74: {  	_ =	shalt  }
0x75: {  	_ =	shalt  }
0x76: {  	_ =	shalt  }
0x77: {  	_ =	shalt  }
0x78: {  	_ =	shalt  }
0x79: {  	_ =	shalt  }
0x7a: {  	_ =	shalt  }
0x7b: {  	_ =	shalt  }
0x7c: {  	_ =	shalt  }
0x7d: {  	_ =	shalt  }
0x7e: {  	_ =	shalt  }
0x7f: {  	_ =	shalt  }
0x80: {  	_ =	shalt  }
0x81: {  	_ =	shalt  }
0x82: {  	_ =	shalt  }
0x83: {  	_ =	shalt  }
0x84: {  	_ =	shalt  }
0x85: {  	_ =	shalt  }
0x86: {  	_ =	shalt  }
0x87: {  	_ =	shalt  }
.Lfunc_end0:
.L_simem_size_0:
called_computation_lowered:
.L_overlay_start_0:
0x88: {  	s2 =	sld [smem:$0x3FD9]  }
0x89: {  	s3 =	sld [smem:$0x3FFE];
	_ =	sdelay $0x1  }
0x8a: {  	s1 =	srdreg.scid  }
0x8b: {  	s0 =	sand.u32 $0x1, s1  }
0x8c: {  	s18 =	sshll.u32 s0, $0xA;
	s2 =	sadd.s32 s3, s2  }
0x8d: {  	s2 =	sadd.s32 s2, s18  }
0x8e: {  	[smem:$0x3FC5] =	sst s2  }
0x8f: {  	_ = 	snop  }
0x90: {  	s2 =	sld [smem:$0x3FC8]  }
0x91: {  	s19 =	sld [smem:$0x3FC7]  }
0x92: {  	s4 =	sld [smem:$0x3FD0];
	(tm) =	ssettm $0x1  }
0x93: {  	s5 =	sld [smem:$0x3FFB];
	_ =	sdelay $0x3  }
0x94: {  	_ =	strace s5  }
0x95: {  	s5 =	sld [smem:$0x3FFC];
	_ =	sdelay $0x3  }
0x96: {  	_ =	strace s5  }
0x97: {  	s5 =	sld [smem:$0x3FFD];
	_ =	sdelay $0x3  }
0x98: {  	_ =	strace s5  }
0x99: {  	_ =	strace $0x8FFFFFFF  }
0x9a: {  	s20 =	sld [smem:$0x3FDB];
	_ =	sdelay $0x1  }
0x9b: {  	s6 =	simm.s32 $_scs_section_size  }
0x9c: {  	s7 =	simm.s32 $_size__tile_overlayer_lowered;
	s8 =	simm.s32 $_tile_overlayer_lowered  }
0x9d: {  	s23 =	simm.s32 $0x1BFF;
	s22 =	sshll.u32 s8, $0x1;
	s5 =	sadd.s32 s6, s20  }
0x9e: {  	s9 =	simm.s32 $0x0;
	s21 =	sshll.u32 s7, $0x1;
	s7 =	sadd.s32 s22, s5  }
0x9f: {  	[timem:s9], [sflag:s23] =	dma.local [hbm:s7], s21  }
0xa0: {  	_ =	swait.ge [sflag:s23], s21  }
0xa1: {  	s6 =	ssub.s32 $0x0, s21;
	[sflag:s23] =	ssyncset.done $0x0  }
0xa2: {  	[sflag:s23] =	ssyncadd.s32 s6;
	_ =	sdelay $0x1  }
0xa3: {  	s24 =	simm.s32 $0x1B8B  }
0xa4: {  	_ =	swait.ge [sflag:s24], $0x1  }
0xa5: {  	[sflag:s24] =	ssyncset.done $0x0  }
0xa6: {  	s25 =	simm.s32 $0x1B8E;
	[sflag:s24] =	ssyncadd.s32 $0xFFFFFFFF  }
0xa7: {  	s26 =	simm.s32 $execute0_lowered;
	[smem:$0x3FD2] =	sst s25  }
0xa8: {  	s6 =	sshll.u32 s26, $0x1;
	_ =	strace $0x80000046;
	[dreg:$0x1] =	wrdreg $0xFFFFFFFF  }
0xa9: {  	s28 =	simm.s32 $_size_execute0_lowered;
	s5 =	sadd.s32 s5, s6;
	[dreg:$0x0] =	wrdreg $0x0  }
0xaa: {  	s6 =	sshll.u32 s28, $0x1;
	[dreg:$0x2] =	wrdreg s5  }
0xab: {  	[dreg:$0x3] =	wrdreg s6  }
0xac: {  	[dreg:$0x4] =	wrdreg $0xC0  }
0xad: {  	_ =	task [dreg:s9], $0x5FFFF  }
0xae: {  	[dreg:$0x1] =	wrdreg $0xFFFFFFFF  }
0xaf: {  	[dreg:$0x0] =	wrdreg $0x60  }
0xb0: {  	[dreg:$0x2] =	wrdreg s2  }
0xb1: {  	[dreg:$0x3] =	wrdreg s19  }
0xb2: {  	[dreg:$0x4] =	wrdreg s4  }
0xb3: {  	[dreg:$0x5] =	wrdreg $0x9  }
0xb4: {  	_ =	task.clear_ibuf [dreg:s9], $0x6FFFF;
	_ =	strace $0x90000046  }
0xb5: {  	s29 =	simm.s32 $0x9;
	_ =	strace $0x80000048  }
0xb6: {  	_ =	swait.ge [sflag:s29], $0x1  }
0xb7: {  	[sflag:s29] =	ssyncadd.s32 $0xFFFFFFFF  }
0xb8: {  	_ =	strace $0x90000048  }
0xb9: {  	_ =	sfence  }
0xba: {  	s30 =	sld [smem:$0x0];
	_ =	sdelay $0x2  }
0xbb: {  	s31 =	sshll.u32 s1, $0xD;
	s1 =	sshrl.u32 s1, $0x2  }
0xbc: {  	s3 =	sand.u32 $0x4000, s31;
	s1 =	sadd.s32 s1, s30  }
0xbd: {  	s0 =	sor.u32 s3, s0;
	s1 =	sshll.u32 s1, $0x11  }
0xbe: {  	s0 =	sor.u32 s1, s0  }
0xbf: {  	s0 =	sadd.s32 $0x8F2B, s0  }
0xc0: {  	[sflag:s0] =	ssyncadd.remote.s32 $0x1  }
0xc1: {  	_ =	sfence.sel $0xFFFF  }
0xc2: {  	[dreg:$0x0] =	wrdreg $0xFFFFFFFF;
	(pc) =	sbr.abs _section_cstart, $3  }
0xc3: {  	[dreg:$0x1] =	wrdreg $0xFFFFFFFF  }
0xc4: {  	_ =	task.clear_ibuf [dreg:s9], $0x2FFFF;
	_ =	strace $0x9FFFFFFF  }
0xc5: {  	(tm) =	ssettm $0x7FFFFFFF  }
tec
execute0_lowered:
.L_overlay_start_1:
0x0: {  	(tag) =	ssettag $0x1  }
0x1: {  	s1 =	rddreg [dreg:$0x0]  }
0x2: {  	s3 =	rddreg [dreg:$0x1]  }
0x3: {  	s0 =	rddreg [dreg:$0x2]  }
0x4: {  	s2 =	srdreg.scid;
	s9 =	stileid.u32;
	s4 =	simm.s32 $0x0  }
0x5: {  	s11 =	simm.s32 $0x1;
	s12 =	simm.s32 $0x200;
	s21 =	simm.s32 $0x2  }
0x6: {  	s28 =	simm.s32 $0xBE00;
	s29 =	simm.s32 $0xC600;
	s30 =	simm.s32 $0xCE00  }
0x7: {  	s31 =	simm.s32 $0xD600;
	s10 =	simm.s32 $0x3;
	s13 =	simm.s32 $0x4  }
0x8: {  	s16 =	simm.s32 $0x0;
	s20 =	simm.s32 $0x100;
	s2 =	sand.u32 $0x1, s2  }
0x9: {  	s5 =	sshll.u32 s9, $0x1;
	[smem:$0x7FF] =	sst s4;
	s24 =	sshll.u32 s9, $0x9  }
0xa: {  	s26 =	sshll.u32 s9, $0x8;
	s9 =	simm.s32 $0xFE00;
	s6 =	ssub.s32 $0x2, s2  }
0xb: {  	s5 =	sor.u32 s2, s5;
	_ =	strace $0x80000047;
	s25 =	sshll.u32 s2, $0x8  }
0xc: {  	s2 =	sshll.u32 s2, $0x7;
	s7 =	sshrl.u32 s6, $0x1;
	s8 =	sshll.u32 s5, $0x5  }
0xd: {  	s2 =	sor.u32 s2, s26;
	s26 =	simm.s32 $0xB600;
	s6 =	ssub.s32 s6, s7  }
0xe: {  	s22 =	sadd.s32 s3, s8;
	s7 =	sadd.s32 $0x80, s0;
	s0 =	sor.u32 s25, s24  }
.Ltmp0:
0xf: {  	[dreg:$0x6] =	wrdreg s2;
	s24 =	simm.s32 $0x8200;
	(pc) =	sbr.rel .LBB2_1-.Ltmp0, $4  }
0x10: {  	s25 =	simm.s32 $0xAE00;
	s2 =	simm.s32 $0xE600;
	s8 =	simm.s32 $0xF600  }
0x11: {  	v2 =	vlaneseq.u32;
	[dreg:$0x4] =	wrdreg s22;
	s23 =	smax.u32 s6, $0x1;
	s0 =	sadd.s32 $0xFFF67C00, s0  }
0x12: {  	vm0 =	vmmov $0xff;
	v1 =	vshrl.u32 v2, $0x3;
	s22 =	simm.s32 $0x800;
	s6 =	simm.s32 $0xEE00;
	[dreg:$0x5] =	wrdreg s23  }
0x13: {  	v0 =	vand.u32 $0x7, v2;
	v2 =	vor.u32 $0x8, v2;
	v1 =	vmul.u32 $0x8, v1;
	[dreg:$0x7] =	wrdreg s0;
	s23 =	simm.s32 $0xC00;
	s0 =	simm.s32 $0xDE00  }
.LBB2_4:
0x14: {  	s15 =	simm.s32 $0x5  }
0x15: {  	_ =	swait.ge [sflag:s15], $0x8000  }
0x16: {  	s16 =	rddreg [dreg:$0x8]  }
0x17: {  	s14 =	rddreg [dreg:$0x5];
	s16 =	sadd.s32 $0x1, s16  }
0x18: {  	p0 =	sne.s32 s16, s14  }
.Ltmp1:
0x19: {  	_ = 	snop;
	(pc) =	sbr.rel @!p0 .LBB2_5-.Ltmp1, $3  }
0x1a: {  	_ =	sdelay $0x1  }
0x1b: {  	[sflag:s15] =	ssyncset.done $0x0  }
0x1c: {  	[sflag:s15] =	ssyncadd.s32 $0xFFFF8000  }
.LBB2_1:
0x1d: {  	[dreg:$0x8] =	wrdreg s16  }
0x1e: {  	s14 =	rddreg [dreg:$0x4]  }
0x1f: {  	[tilespmem:s4], [sflag:$0x1] =	stream.linear.gather [hbm4b:s14+s4], $0x100, $0x38;
	[tilespmem:$0x10200] =	vst v63  }
0x20: {  	_ =	swait.ge [sflag:s11], $0x100  }
0x21: {  	[sflag:s11] =	ssyncset.done $0x0  }
0x22: {  	[sflag:s11] =	ssyncadd.s32 $0xFFFFFF00  }
0x23: {  	v3 =	vld [tilespmem:$0x0];
	_ =	sdelay $0x4  }
0x24: {  	v4 =	vperm.xlane v3, v0;
	_ =	sdelay $0x1  }
0x25: {  	v3 =	vperm.xlane v3, v2;
	v4 =	vadd.s32 v1, v4;
	_ =	sdelay $0x1  }
0x26: {  	v3 =	vadd.s32 v1, v3;
	_ =	sdelay $0x2  }
0x27: {  	[tilespmem:s12], [sflag:$0x2] =	stream.indirect_vreg.gather [hbm4b:s1+s4], $0x80, v4, vm0, $0xb8;
	[tilespmem:$0x10200] =	vst v63  }
0x28: {  	s19 =	simm.s32 $0xA00  }
0x29: {  	[tilespmem:s19], [sflag:$0x2] =	stream.indirect_vreg.gather [hbm4b:s1+s4], $0x80, v3, vm0, $0xb8;
	[tilespmem:$0x10200] =	vst v63  }
0x2a: {  	v3 =	vld [tilespmem:$0x10];
	_ =	sdelay $0x4  }
0x2b: {  	v49 =	vperm.xlane v3, v0;
	_ =	sdelay $0x1  }
0x2c: {  	v3 =	vperm.xlane v3, v2;
	v4 =	vadd.s32 v1, v49;
	_ =	sdelay $0x1  }
0x2d: {  	v3 =	vadd.s32 v1, v3;
	_ =	sdelay $0x1  }
0x2e: {  	s15 =	simm.s32 $0x1200  }
0x2f: {  	[tilespmem:s15], [sflag:$0x2] =	stream.indirect_vreg.gather [hbm4b:s1+s4], $0x80, v4, vm0, $0xb8;
	[tilespmem:$0x10200] =	vst v63  }
0x30: {  	s16 =	simm.s32 $0x1A00  }
0x31: {  	[tilespmem:s16], [sflag:$0x2] =	stream.indirect_vreg.gather [hbm4b:s1+s4], $0x80, v3, vm0, $0xb8;
	[tilespmem:$0x10200] =	vst v63  }
0x32: {  	v3 =	vld [tilespmem:$0x20];
	_ =	sdelay $0x4  }
0x33: {  	v50 =	vperm.xlane v3, v0;
	_ =	sdelay $0x1  }
0x34: {  	v3 =	vperm.xlane v3, v2;
	v4 =	vadd.s32 v1, v50;
	_ =	sdelay $0x1  }
0x35: {  	v3 =	vadd.s32 v1, v3;
	_ =	sdelay $0x1  }
0x36: {  	s17 =	simm.s32 $0x2200  }
0x37: {  	[tilespmem:s17], [sflag:$0x2] =	stream.indirect_vreg.gather [hbm4b:s1+s4], $0x80, v4, vm0, $0xb8;
	[tilespmem:$0x10200] =	vst v63  }
0x38: {  	s18 =	simm.s32 $0x2A00  }
0x39: {  	[tilespmem:s18], [sflag:$0x2] =	stream.indirect_vreg.gather [hbm4b:s1+s4], $0x80, v3, vm0, $0xb8;
	[tilespmem:$0x10200] =	vst v63  }
0x3a: {  	v3 =	vld [tilespmem:$0x30];
	_ =	sdelay $0x4  }
0x3b: {  	v51 =	vperm.xlane v3, v0;
	_ =	sdelay $0x1  }
0x3c: {  	v3 =	vperm.xlane v3, v2;
	v4 =	vadd.s32 v1, v51;
	_ =	sdelay $0x1  }
0x3d: {  	v3 =	vadd.s32 v1, v3;
	_ =	sdelay $0x1  }
0x3e: {  	s19 =	simm.s32 $0x3200  }
0x3f: {  	[tilespmem:s19], [sflag:$0x2] =	stream.indirect_vreg.gather [hbm4b:s1+s4], $0x80, v4, vm0, $0xb8;
	[tilespmem:$0x10200] =	vst v63  }
0x40: {  	s15 =	simm.s32 $0x3A00  }
0x41: {  	[tilespmem:s15], [sflag:$0x2] =	stream.indirect_vreg.gather [hbm4b:s1+s4], $0x80, v3, vm0, $0xb8;
	[tilespmem:$0x10200] =	vst v63  }
0x42: {  	v3 =	vld [tilespmem:$0x40];
	_ =	sdelay $0x4  }
0x43: {  	v52 =	vperm.xlane v3, v0;
	_ =	sdelay $0x1  }
0x44: {  	v3 =	vperm.xlane v3, v2;
	v4 =	vadd.s32 v1, v52;
	_ =	sdelay $0x1  }
0x45: {  	v3 =	vadd.s32 v1, v3;
	_ =	sdelay $0x1  }
0x46: {  	s16 =	simm.s32 $0x4200  }
0x47: {  	[tilespmem:s16], [sflag:$0x2] =	stream.indirect_vreg.gather [hbm4b:s1+s4], $0x80, v4, vm0, $0xb8;
	[tilespmem:$0x10200] =	vst v63  }
0x48: {  	s17 =	simm.s32 $0x4A00  }
0x49: {  	[tilespmem:s17], [sflag:$0x2] =	stream.indirect_vreg.gather [hbm4b:s1+s4], $0x80, v3, vm0, $0xb8;
	[tilespmem:$0x10200] =	vst v63  }
0x4a: {  	v3 =	vld [tilespmem:$0x50];
	_ =	sdelay $0x4  }
0x4b: {  	v53 =	vperm.xlane v3, v0;
	_ =	sdelay $0x1  }
0x4c: {  	v3 =	vperm.xlane v3, v2;
	v4 =	vadd.s32 v1, v53;
	_ =	sdelay $0x1  }
0x4d: {  	v3 =	vadd.s32 v1, v3;
	_ =	sdelay $0x1  }
0x4e: {  	s18 =	simm.s32 $0x5200  }
0x4f: {  	[tilespmem:s18], [sflag:$0x2] =	stream.indirect_vreg.gather [hbm4b:s1+s4], $0x80, v4, vm0, $0xb8;
	[tilespmem:$0x10200] =	vst v63  }
0x50: {  	s19 =	simm.s32 $0x5A00  }
0x51: {  	[tilespmem:s19], [sflag:$0x2] =	stream.indirect_vreg.gather [hbm4b:s1+s4], $0x80, v3, vm0, $0xb8;
	[tilespmem:$0x10200] =	vst v63  }
0x52: {  	v3 =	vld [tilespmem:$0x60];
	_ =	sdelay $0x4  }
0x53: {  	v54 =	vperm.xlane v3, v0;
	_ =	sdelay $0x1  }
0x54: {  	v3 =	vperm.xlane v3, v2;
	v4 =	vadd.s32 v1, v54;
	_ =	sdelay $0x1  }
0x55: {  	v3 =	vadd.s32 v1, v3;
	_ =	sdelay $0x1  }
0x56: {  	s15 =	simm.s32 $0x6200  }
0x57: {  	[tilespmem:s15], [sflag:$0x2] =	stream.indirect_vreg.gather [hbm4b:s1+s4], $0x80, v4, vm0, $0xb8;
	[tilespmem:$0x10200] =	vst v63  }
0x58: {  	s16 =	simm.s32 $0x6A00  }
0x59: {  	[tilespmem:s16], [sflag:$0x2] =	stream.indirect_vreg.gather [hbm4b:s1+s4], $0x80, v3, vm0, $0xb8;
	[tilespmem:$0x10200] =	vst v63  }
0x5a: {  	v3 =	vld [tilespmem:$0x70];
	_ =	sdelay $0x4  }
0x5b: {  	v55 =	vperm.xlane v3, v0;
	_ =	sdelay $0x1  }
0x5c: {  	v3 =	vperm.xlane v3, v2;
	v4 =	vadd.s32 v1, v55;
	_ =	sdelay $0x1  }
0x5d: {  	v3 =	vadd.s32 v1, v3;
	_ =	sdelay $0x1  }
0x5e: {  	s17 =	simm.s32 $0x7200  }
0x5f: {  	[tilespmem:s17], [sflag:$0x2] =	stream.indirect_vreg.gather [hbm4b:s1+s4], $0x80, v4, vm0, $0xb8;
	[tilespmem:$0x10200] =	vst v63  }
0x60: {  	s18 =	simm.s32 $0x7A00  }
0x61: {  	[tilespmem:s18], [sflag:$0x2] =	stream.indirect_vreg.gather [hbm4b:s1+s4], $0x80, v3, vm0, $0xb8;
	[tilespmem:$0x10200] =	vst v63  }
0x62: {  	v3 =	vld [tilespmem:$0x80];
	_ =	sdelay $0x4  }
0x63: {  	v56 =	vperm.xlane v3, v0;
	_ =	sdelay $0x1  }
0x64: {  	v3 =	vperm.xlane v3, v2;
	v4 =	vadd.s32 v1, v56;
	_ =	sdelay $0x1  }
0x65: {  	v3 =	vadd.s32 v1, v3;
	_ =	sdelay $0x1  }
0x66: {  	s19 =	simm.s32 $0x600  }
0x67: {  	[tilespmem:s19], [sflag:$0x2] =	stream.indirect_vreg.gather [hbm4b:s1+s4], $0x80, v4, vm0, $0xb8;
	[tilespmem:$0x10200] =	vst v63  }
0x68: {  	s15 =	simm.s32 $0xE00  }
0x69: {  	[tilespmem:s15], [sflag:$0x2] =	stream.indirect_vreg.gather [hbm4b:s1+s4], $0x80, v3, vm0, $0xb8;
	[tilespmem:$0x10200] =	vst v63  }
0x6a: {  	v3 =	vld [tilespmem:$0x90];
	_ =	sdelay $0x4  }
0x6b: {  	v57 =	vperm.xlane v3, v0;
	_ =	sdelay $0x1  }
0x6c: {  	v3 =	vperm.xlane v3, v2;
	v4 =	vadd.s32 v1, v57;
	_ =	sdelay $0x1  }
0x6d: {  	v3 =	vadd.s32 v1, v3;
	_ =	sdelay $0x1  }
0x6e: {  	s16 =	simm.s32 $0x1600  }
0x6f: {  	[tilespmem:s16], [sflag:$0x2] =	stream.indirect_vreg.gather [hbm4b:s1+s4], $0x80, v4, vm0, $0xb8;
	[tilespmem:$0x10200] =	vst v63  }
0x70: {  	s17 =	simm.s32 $0x1E00  }
0x71: {  	[tilespmem:s17], [sflag:$0x2] =	stream.indirect_vreg.gather [hbm4b:s1+s4], $0x80, v3, vm0, $0xb8;
	[tilespmem:$0x10200] =	vst v63  }
0x72: {  	v3 =	vld [tilespmem:$0xA0];
	_ =	sdelay $0x4  }
0x73: {  	v58 =	vperm.xlane v3, v0;
	_ =	sdelay $0x1  }
0x74: {  	v3 =	vperm.xlane v3, v2;
	v4 =	vadd.s32 v1, v58;
	_ =	sdelay $0x1  }
0x75: {  	v3 =	vadd.s32 v1, v3;
	_ =	sdelay $0x1  }
0x76: {  	s18 =	simm.s32 $0x2600  }
0x77: {  	[tilespmem:s18], [sflag:$0x2] =	stream.indirect_vreg.gather [hbm4b:s1+s4], $0x80, v4, vm0, $0xb8;
	[tilespmem:$0x10200] =	vst v63  }
0x78: {  	s19 =	simm.s32 $0x2E00  }
0x79: {  	[tilespmem:s19], [sflag:$0x2] =	stream.indirect_vreg.gather [hbm4b:s1+s4], $0x80, v3, vm0, $0xb8;
	[tilespmem:$0x10200] =	vst v63  }
0x7a: {  	v3 =	vld [tilespmem:$0xB0];
	_ =	sdelay $0x4  }
0x7b: {  	v59 =	vperm.xlane v3, v0;
	_ =	sdelay $0x1  }
0x7c: {  	v3 =	vperm.xlane v3, v2;
	v4 =	vadd.s32 v1, v59;
	_ =	sdelay $0x1  }
0x7d: {  	v3 =	vadd.s32 v1, v3;
	_ =	sdelay $0x1  }
0x7e: {  	s15 =	simm.s32 $0x3600  }
0x7f: {  	[tilespmem:s15], [sflag:$0x2] =	stream.indirect_vreg.gather [hbm4b:s1+s4], $0x80, v4, vm0, $0xb8;
	[tilespmem:$0x10200] =	vst v63  }
0x80: {  	s16 =	simm.s32 $0x3E00  }
0x81: {  	[tilespmem:s16], [sflag:$0x2] =	stream.indirect_vreg.gather [hbm4b:s1+s4], $0x80, v3, vm0, $0xb8;
	[tilespmem:$0x10200] =	vst v63  }
0x82: {  	v3 =	vld [tilespmem:$0xC0];
	_ =	sdelay $0x4  }
0x83: {  	v60 =	vperm.xlane v3, v0;
	_ =	sdelay $0x1  }
0x84: {  	v3 =	vperm.xlane v3, v2;
	v4 =	vadd.s32 v1, v60;
	_ =	sdelay $0x1  }
0x85: {  	v3 =	vadd.s32 v1, v3;
	_ =	sdelay $0x1  }
0x86: {  	s17 =	simm.s32 $0x4600  }
0x87: {  	[tilespmem:s17], [sflag:$0x2] =	stream.indirect_vreg.gather [hbm4b:s1+s4], $0x80, v4, vm0, $0xb8;
	[tilespmem:$0x10200] =	vst v63  }
0x88: {  	s18 =	simm.s32 $0x4E00  }
0x89: {  	[tilespmem:s18], [sflag:$0x2] =	stream.indirect_vreg.gather [hbm4b:s1+s4], $0x80, v3, vm0, $0xb8;
	[tilespmem:$0x10200] =	vst v63  }
0x8a: {  	v3 =	vld [tilespmem:$0xD0];
	_ =	sdelay $0x4  }
0x8b: {  	v61 =	vperm.xlane v3, v0;
	_ =	sdelay $0x1  }
0x8c: {  	v3 =	vperm.xlane v3, v2;
	v4 =	vadd.s32 v1, v61;
	_ =	sdelay $0x1  }
0x8d: {  	v3 =	vadd.s32 v1, v3;
	_ =	sdelay $0x1  }
0x8e: {  	s19 =	simm.s32 $0x5600  }
0x8f: {  	[tilespmem:s19], [sflag:$0x2] =	stream.indirect_vreg.gather [hbm4b:s1+s4], $0x80, v4, vm0, $0xb8;
	[tilespmem:$0x10200] =	vst v63  }
0x90: {  	s15 =	simm.s32 $0x5E00  }
0x91: {  	[tilespmem:s15], [sflag:$0x2] =	stream.indirect_vreg.gather [hbm4b:s1+s4], $0x80, v3, vm0, $0xb8;
	[tilespmem:$0x10200] =	vst v63  }
0x92: {  	v3 =	vld [tilespmem:$0xE0];
	_ =	sdelay $0x4  }
0x93: {  	v62 =	vperm.xlane v3, v0;
	_ =	sdelay $0x1  }
0x94: {  	v3 =	vperm.xlane v3, v2;
	v4 =	vadd.s32 v1, v62;
	_ =	sdelay $0x1  }
0x95: {  	v3 =	vadd.s32 v1, v3;
	_ =	sdelay $0x1  }
0x96: {  	s16 =	simm.s32 $0x6600  }
0x97: {  	[tilespmem:s16], [sflag:$0x2] =	stream.indirect_vreg.gather [hbm4b:s1+s4], $0x80, v4, vm0, $0xb8;
	[tilespmem:$0x10200] =	vst v63  }
0x98: {  	s17 =	simm.s32 $0x6E00  }
0x99: {  	[tilespmem:s17], [sflag:$0x2] =	stream.indirect_vreg.gather [hbm4b:s1+s4], $0x80, v3, vm0, $0xb8;
	[tilespmem:$0x10200] =	vst v63  }
0x9a: {  	v3 =	vld [tilespmem:$0xF0];
	_ =	sdelay $0x4  }
0x9b: {  	v63 =	vperm.xlane v3, v0;
	_ =	sdelay $0x1  }
0x9c: {  	v3 =	vperm.xlane v3, v2;
	v4 =	vadd.s32 v1, v63;
	_ =	sdelay $0x1  }
0x9d: {  	v3 =	vadd.s32 v1, v3;
	_ =	sdelay $0x1  }
0x9e: {  	s14 =	rddreg [dreg:$0x7];
	s18 =	simm.s32 $0x7600  }
0x9f: {  	[tilespmem:s18], [sflag:$0x2] =	stream.indirect_vreg.gather [hbm4b:s1+s4], $0x80, v4, vm0, $0xb8;
	[tilespmem:$0x10200] =	vst v63  }
0xa0: {  	s19 =	simm.s32 $0x7E00;
	s15 =	rddreg [dreg:$0x6];
	s16 =	simm.s32 $0x0  }
0xa1: {  	[tilespmem:s19], [sflag:$0x2] =	stream.indirect_vreg.gather [hbm4b:s1+s4], $0x80, v3, vm0, $0xb8;
	[tilespmem:$0x10200] =	vst v63  }
.LBB2_2:
0xa2: {  	s18 =	sadd.s32 s16, s5  }
0xa3: {  	s17 =	sadd.s32 $0x20, s18  }
0xa4: {  	s19 =	sadd.s32 $0xFFFFF65C, s18;
	p0 =	sgt.u32 s17, $0x9C3  }
0xa5: {  	s17 =	smov.u32 @p0 s19  }
0xa6: {  	s19 =	sshll.u32 s17, $0x5  }
0xa7: {  	s19 =	sand.u32 $0x1FFFFFE0, s19  }
0xa8: {  	p0 =	sgt.u32 s18, $0x9C3;
	s19 =	sadd.s32 s3, s19  }
0xa9: {  	[tilespmem:s20], [sflag:$0x1] =	stream.linear.gather [hbm4b:s19+s4], $0x100, $0x38;
	[tilespmem:$0x10200] =	vst v63  }
0xaa: {  	s18 =	sadd.s32 $0xFFFB1E00, s15;
	s19 =	smov.u32 s15;
	_ =	swait.ge [sflag:s21], $0x4000  }
0xab: {  	s19 =	smov.u32 @p0 s18;
	[sflag:s21] =	ssyncset.done $0x0  }
0xac: {  	s18 =	sshrl.u32 s19, $0x3;
	[sflag:s21] =	ssyncadd.s32 $0xFFFFC000  }
0xad: {  	s18 =	smul.u32 $0x180, s18;
	_ =	swait.ge [sflag:s21], $0x4000  }
0xae: {  	[sflag:s21] =	ssyncset.done $0x0  }
0xaf: {  	p0 =	seq.s32 s16, $0x0;
	s18 =	sadd.s32 s18, s7;
	[sflag:s21] =	ssyncadd.s32 $0xFFFFC000  }
0xb0: {  	[hbm4b:s18+s22] =	stream.strided.scatter [tilespmem:s12], [sflag:$0x4], $0x8000, s23, s22, $0x38;
	[tilespmem:$0x10200] =	vst v63  }
0xb1: {  	s18 =	simm.s32 @!p0 $0x5  }
0xb2: {  	_ =	swait.ge @!p0 [sflag:s18], $0x8000  }
0xb3: {  	[sflag:s18] =	ssyncset.done @!p0 $0x0  }
0xb4: {  	[sflag:s18] =	ssyncadd.s32 @!p0 $0xFFFF8000  }
0xb5: {  	_ =	swait.ge [sflag:s11], $0x100  }
0xb6: {  	[sflag:s11] =	ssyncset.done $0x0  }
0xb7: {  	[sflag:s11] =	ssyncadd.s32 $0xFFFFFF00  }
0xb8: {  	v3 =	vld [tilespmem:$0x100];
	_ =	sdelay $0x4  }
0xb9: {  	v4 =	vperm.xlane v3, v0;
	_ =	sdelay $0x1  }
0xba: {  	v3 =	vperm.xlane v3, v2;
	v4 =	vadd.s32 v1, v4;
	_ =	sdelay $0x1  }
0xbb: {  	v3 =	vadd.s32 v1, v3;
	_ =	sdelay $0x2  }
0xbc: {  	[tilespmem:s24], [sflag:$0x3] =	stream.indirect_vreg.gather [hbm4b:s1+s4], $0x80, v4, vm0, $0xb8;
	[tilespmem:$0x10200] =	vst v63  }
0xbd: {  	s19 =	simm.s32 $0x8A00  }
0xbe: {  	[tilespmem:s19], [sflag:$0x3] =	stream.indirect_vreg.gather [hbm4b:s1+s4], $0x80, v3, vm0, $0xb8;
	[tilespmem:$0x10200] =	vst v63  }
0xbf: {  	v3 =	vld [tilespmem:$0x110];
	_ =	sdelay $0x4  }
0xc0: {  	v49 =	vperm.xlane v3, v0;
	_ =	sdelay $0x1  }
0xc1: {  	v3 =	vperm.xlane v3, v2;
	v4 =	vadd.s32 v1, v49;
	_ =	sdelay $0x1  }
0xc2: {  	v3 =	vadd.s32 v1, v3;
	_ =	sdelay $0x1  }
0xc3: {  	s19 =	simm.s32 $0x9200  }
0xc4: {  	[tilespmem:s19], [sflag:$0x3] =	stream.indirect_vreg.gather [hbm4b:s1+s4], $0x80, v4, vm0, $0xb8;
	[tilespmem:$0x10200] =	vst v63  }
0xc5: {  	s19 =	simm.s32 $0x9A00  }
0xc6: {  	[tilespmem:s19], [sflag:$0x3] =	stream.indirect_vreg.gather [hbm4b:s1+s4], $0x80, v3, vm0, $0xb8;
	[tilespmem:$0x10200] =	vst v63  }
0xc7: {  	v3 =	vld [tilespmem:$0x120];
	_ =	sdelay $0x4  }
0xc8: {  	v50 =	vperm.xlane v3, v0;
	_ =	sdelay $0x1  }
0xc9: {  	v3 =	vperm.xlane v3, v2;
	v4 =	vadd.s32 v1, v50;
	_ =	sdelay $0x1  }
0xca: {  	v3 =	vadd.s32 v1, v3;
	_ =	sdelay $0x1  }
0xcb: {  	s19 =	simm.s32 $0xA200  }
0xcc: {  	[tilespmem:s19], [sflag:$0x3] =	stream.indirect_vreg.gather [hbm4b:s1+s4], $0x80, v4, vm0, $0xb8;
	[tilespmem:$0x10200] =	vst v63  }
0xcd: {  	s19 =	simm.s32 $0xAA00  }
0xce: {  	[tilespmem:s19], [sflag:$0x3] =	stream.indirect_vreg.gather [hbm4b:s1+s4], $0x80, v3, vm0, $0xb8;
	[tilespmem:$0x10200] =	vst v63  }
0xcf: {  	v3 =	vld [tilespmem:$0x130];
	_ =	sdelay $0x4  }
0xd0: {  	v51 =	vperm.xlane v3, v0;
	_ =	sdelay $0x1  }
0xd1: {  	v3 =	vperm.xlane v3, v2;
	v4 =	vadd.s32 v1, v51;
	_ =	sdelay $0x1  }
0xd2: {  	v3 =	vadd.s32 v1, v3;
	_ =	sdelay $0x1  }
0xd3: {  	s19 =	simm.s32 $0xB200  }
0xd4: {  	[tilespmem:s19], [sflag:$0x3] =	stream.indirect_vreg.gather [hbm4b:s1+s4], $0x80, v4, vm0, $0xb8;
	[tilespmem:$0x10200] =	vst v63  }
0xd5: {  	s19 =	simm.s32 $0xBA00  }
0xd6: {  	[tilespmem:s19], [sflag:$0x3] =	stream.indirect_vreg.gather [hbm4b:s1+s4], $0x80, v3, vm0, $0xb8;
	[tilespmem:$0x10200] =	vst v63  }
0xd7: {  	v3 =	vld [tilespmem:$0x140];
	_ =	sdelay $0x4  }
0xd8: {  	v52 =	vperm.xlane v3, v0;
	_ =	sdelay $0x1  }
0xd9: {  	v3 =	vperm.xlane v3, v2;
	v4 =	vadd.s32 v1, v52;
	_ =	sdelay $0x1  }
0xda: {  	v3 =	vadd.s32 v1, v3;
	_ =	sdelay $0x1  }
0xdb: {  	s19 =	simm.s32 $0xC200  }
0xdc: {  	[tilespmem:s19], [sflag:$0x3] =	stream.indirect_vreg.gather [hbm4b:s1+s4], $0x80, v4, vm0, $0xb8;
	[tilespmem:$0x10200] =	vst v63  }
0xdd: {  	s19 =	simm.s32 $0xCA00  }
0xde: {  	[tilespmem:s19], [sflag:$0x3] =	stream.indirect_vreg.gather [hbm4b:s1+s4], $0x80, v3, vm0, $0xb8;
	[tilespmem:$0x10200] =	vst v63  }
0xdf: {  	v3 =	vld [tilespmem:$0x150];
	_ =	sdelay $0x4  }
0xe0: {  	v53 =	vperm.xlane v3, v0;
	_ =	sdelay $0x1  }
0xe1: {  	v3 =	vperm.xlane v3, v2;
	v4 =	vadd.s32 v1, v53;
	_ =	sdelay $0x1  }
0xe2: {  	v3 =	vadd.s32 v1, v3;
	_ =	sdelay $0x1  }
0xe3: {  	s19 =	simm.s32 $0xD200  }
0xe4: {  	[tilespmem:s19], [sflag:$0x3] =	stream.indirect_vreg.gather [hbm4b:s1+s4], $0x80, v4, vm0, $0xb8;
	[tilespmem:$0x10200] =	vst v63  }
0xe5: {  	s19 =	simm.s32 $0xDA00  }
0xe6: {  	[tilespmem:s19], [sflag:$0x3] =	stream.indirect_vreg.gather [hbm4b:s1+s4], $0x80, v3, vm0, $0xb8;
	[tilespmem:$0x10200] =	vst v63  }
0xe7: {  	v3 =	vld [tilespmem:$0x160];
	_ =	sdelay $0x4  }
0xe8: {  	v54 =	vperm.xlane v3, v0;
	_ =	sdelay $0x1  }
0xe9: {  	v3 =	vperm.xlane v3, v2;
	v4 =	vadd.s32 v1, v54;
	_ =	sdelay $0x1  }
0xea: {  	v3 =	vadd.s32 v1, v3;
	_ =	sdelay $0x1  }
0xeb: {  	s19 =	simm.s32 $0xE200  }
0xec: {  	[tilespmem:s19], [sflag:$0x3] =	stream.indirect_vreg.gather [hbm4b:s1+s4], $0x80, v4, vm0, $0xb8;
	[tilespmem:$0x10200] =	vst v63  }
0xed: {  	s19 =	simm.s32 $0xEA00  }
0xee: {  	[tilespmem:s19], [sflag:$0x3] =	stream.indirect_vreg.gather [hbm4b:s1+s4], $0x80, v3, vm0, $0xb8;
	[tilespmem:$0x10200] =	vst v63  }
0xef: {  	v3 =	vld [tilespmem:$0x170];
	_ =	sdelay $0x4  }
0xf0: {  	v55 =	vperm.xlane v3, v0;
	_ =	sdelay $0x1  }
0xf1: {  	v3 =	vperm.xlane v3, v2;
	v4 =	vadd.s32 v1, v55;
	_ =	sdelay $0x1  }
0xf2: {  	v3 =	vadd.s32 v1, v3;
	_ =	sdelay $0x1  }
0xf3: {  	s19 =	simm.s32 $0xF200  }
0xf4: {  	[tilespmem:s19], [sflag:$0x3] =	stream.indirect_vreg.gather [hbm4b:s1+s4], $0x80, v4, vm0, $0xb8;
	[tilespmem:$0x10200] =	vst v63  }
0xf5: {  	s19 =	simm.s32 $0xFA00  }
0xf6: {  	[tilespmem:s19], [sflag:$0x3] =	stream.indirect_vreg.gather [hbm4b:s1+s4], $0x80, v3, vm0, $0xb8;
	[tilespmem:$0x10200] =	vst v63  }
0xf7: {  	v3 =	vld [tilespmem:$0x180];
	_ =	sdelay $0x4  }
0xf8: {  	v56 =	vperm.xlane v3, v0;
	_ =	sdelay $0x1  }
0xf9: {  	v3 =	vperm.xlane v3, v2;
	v4 =	vadd.s32 v1, v56;
	_ =	sdelay $0x1  }
0xfa: {  	v3 =	vadd.s32 v1, v3;
	_ =	sdelay $0x1  }
0xfb: {  	s19 =	simm.s32 $0x8600  }
0xfc: {  	[tilespmem:s19], [sflag:$0x3] =	stream.indirect_vreg.gather [hbm4b:s1+s4], $0x80, v4, vm0, $0xb8;
	[tilespmem:$0x10200] =	vst v63  }
0xfd: {  	s19 =	simm.s32 $0x8E00  }
0xfe: {  	[tilespmem:s19], [sflag:$0x3] =	stream.indirect_vreg.gather [hbm4b:s1+s4], $0x80, v3, vm0, $0xb8;
	[tilespmem:$0x10200] =	vst v63  }
0xff: {  	v3 =	vld [tilespmem:$0x190];
	_ =	sdelay $0x4  }
0x100: {  	v57 =	vperm.xlane v3, v0;
	_ =	sdelay $0x1  }
0x101: {  	v3 =	vperm.xlane v3, v2;
	v4 =	vadd.s32 v1, v57;
	_ =	sdelay $0x1  }
0x102: {  	v3 =	vadd.s32 v1, v3;
	_ =	sdelay $0x1  }
0x103: {  	s19 =	simm.s32 $0x9600  }
0x104: {  	[tilespmem:s19], [sflag:$0x3] =	stream.indirect_vreg.gather [hbm4b:s1+s4], $0x80, v4, vm0, $0xb8;
	[tilespmem:$0x10200] =	vst v63  }
0x105: {  	s19 =	simm.s32 $0x9E00  }
0x106: {  	[tilespmem:s19], [sflag:$0x3] =	stream.indirect_vreg.gather [hbm4b:s1+s4], $0x80, v3, vm0, $0xb8;
	[tilespmem:$0x10200] =	vst v63  }
0x107: {  	v3 =	vld [tilespmem:$0x1A0];
	_ =	sdelay $0x4  }
0x108: {  	v58 =	vperm.xlane v3, v0;
	_ =	sdelay $0x1  }
0x109: {  	v3 =	vperm.xlane v3, v2;
	v4 =	vadd.s32 v1, v58;
	_ =	sdelay $0x1  }
0x10a: {  	v3 =	vadd.s32 v1, v3;
	_ =	sdelay $0x1  }
0x10b: {  	s19 =	simm.s32 $0xA600  }
0x10c: {  	[tilespmem:s19], [sflag:$0x3] =	stream.indirect_vreg.gather [hbm4b:s1+s4], $0x80, v4, vm0, $0xb8;
	[tilespmem:$0x10200] =	vst v63  }
0x10d: {  	_ = 	snop  }
0x10e: {  	[tilespmem:s25], [sflag:$0x3] =	stream.indirect_vreg.gather [hbm4b:s1+s4], $0x80, v3, vm0, $0xb8;
	[tilespmem:$0x10200] =	vst v63  }
0x10f: {  	v3 =	vld [tilespmem:$0x1B0];
	_ =	sdelay $0x4  }
0x110: {  	v59 =	vperm.xlane v3, v0;
	_ =	sdelay $0x1  }
0x111: {  	v3 =	vperm.xlane v3, v2;
	v4 =	vadd.s32 v1, v59;
	_ =	sdelay $0x1  }
0x112: {  	v3 =	vadd.s32 v1, v3;
	_ =	sdelay $0x2  }
0x113: {  	[tilespmem:s26], [sflag:$0x3] =	stream.indirect_vreg.gather [hbm4b:s1+s4], $0x80, v4, vm0, $0xb8;
	[tilespmem:$0x10200] =	vst v63  }
0x114: {  	_ = 	snop  }
0x115: {  	[tilespmem:s28], [sflag:$0x3] =	stream.indirect_vreg.gather [hbm4b:s1+s4], $0x80, v3, vm0, $0xb8;
	[tilespmem:$0x10200] =	vst v63  }
0x116: {  	v3 =	vld [tilespmem:$0x1C0];
	_ =	sdelay $0x4  }
0x117: {  	v60 =	vperm.xlane v3, v0;
	_ =	sdelay $0x1  }
0x118: {  	v3 =	vperm.xlane v3, v2;
	v4 =	vadd.s32 v1, v60;
	_ =	sdelay $0x1  }
0x119: {  	v3 =	vadd.s32 v1, v3;
	_ =	sdelay $0x2  }
0x11a: {  	[tilespmem:s29], [sflag:$0x3] =	stream.indirect_vreg.gather [hbm4b:s1+s4], $0x80, v4, vm0, $0xb8;
	[tilespmem:$0x10200] =	vst v63  }
0x11b: {  	_ = 	snop  }
0x11c: {  	[tilespmem:s30], [sflag:$0x3] =	stream.indirect_vreg.gather [hbm4b:s1+s4], $0x80, v3, vm0, $0xb8;
	[tilespmem:$0x10200] =	vst v63  }
0x11d: {  	v3 =	vld [tilespmem:$0x1D0];
	_ =	sdelay $0x4  }
0x11e: {  	v61 =	vperm.xlane v3, v0;
	_ =	sdelay $0x1  }
0x11f: {  	v3 =	vperm.xlane v3, v2;
	v4 =	vadd.s32 v1, v61;
	_ =	sdelay $0x1  }
0x120: {  	v3 =	vadd.s32 v1, v3;
	_ =	sdelay $0x2  }
0x121: {  	[tilespmem:s31], [sflag:$0x3] =	stream.indirect_vreg.gather [hbm4b:s1+s4], $0x80, v4, vm0, $0xb8;
	[tilespmem:$0x10200] =	vst v63  }
0x122: {  	_ = 	snop  }
0x123: {  	[tilespmem:s0], [sflag:$0x3] =	stream.indirect_vreg.gather [hbm4b:s1+s4], $0x80, v3, vm0, $0xb8;
	[tilespmem:$0x10200] =	vst v63  }
0x124: {  	v3 =	vld [tilespmem:$0x1E0];
	_ =	sdelay $0x4  }
0x125: {  	v62 =	vperm.xlane v3, v0;
	_ =	sdelay $0x1  }
0x126: {  	v3 =	vperm.xlane v3, v2;
	v4 =	vadd.s32 v1, v62;
	_ =	sdelay $0x1  }
0x127: {  	v3 =	vadd.s32 v1, v3;
	_ =	sdelay $0x2  }
0x128: {  	[tilespmem:s2], [sflag:$0x3] =	stream.indirect_vreg.gather [hbm4b:s1+s4], $0x80, v4, vm0, $0xb8;
	[tilespmem:$0x10200] =	vst v63  }
0x129: {  	_ = 	snop  }
0x12a: {  	[tilespmem:s6], [sflag:$0x3] =	stream.indirect_vreg.gather [hbm4b:s1+s4], $0x80, v3, vm0, $0xb8;
	[tilespmem:$0x10200] =	vst v63  }
0x12b: {  	v3 =	vld [tilespmem:$0x1F0];
	_ =	sdelay $0x4  }
0x12c: {  	v63 =	vperm.xlane v3, v0  }
0x12d: {  	p0 =	seq.s32 s16, $0x9C0  }
0x12e: {  	s18 =	sadd.s32 @!p0 s16, s5;
	v3 =	vperm.xlane v3, v2;
	v4 =	vadd.s32 v1, v63  }
0x12f: {  	s18 =	sadd.s32 @!p0 $0x40, s18  }
0x130: {  	p1 =	sgt.u32 @!p0 s18, $0x9C3;
	v3 =	vadd.s32 v1, v3  }
0x131: {  	s18 =	sadd.s32 @!p0 $0x9C400, s14;
	p1 =	por !p1, p0;
	s19 =	smov.u32 s14  }
0x132: {  	s19 =	smov.u32 @p1 s18  }
0x133: {  	[tilespmem:s8], [sflag:$0x3] =	stream.indirect_vreg.gather [hbm4b:s1+s4], $0x80, v4, vm0, $0xb8;
	[tilespmem:$0x10200] =	vst v63  }
0x134: {  	s18 =	sshrl.u32 @!p0 s19, $0x3  }
0x135: {  	[tilespmem:s9], [sflag:$0x3] =	stream.indirect_vreg.gather [hbm4b:s1+s4], $0x80, v3, vm0, $0xb8;
	[tilespmem:$0x10200] =	vst v63  }
0x136: {  	s19 =	simm.s32 @!p0 $0x0;
	s18 =	sadd.s32 @!p0 s3, s18  }
0x137: {  	[tilespmem:s19], [sflag:$0x1] =	stream.linear.gather @!p0 [hbm4b:s18+s19], $0x100, $0x38;
	[tilespmem:$0x10200] =	vst v63  }
0x138: {  	_ =	swait.ge [sflag:s10], $0x4000  }
0x139: {  	[sflag:s10] =	ssyncset.done $0x0  }
0x13a: {  	[sflag:s10] =	ssyncadd.s32 $0xFFFFC000  }
0x13b: {  	s17 =	smul.u32 $0x1800, s17;
	_ =	swait.ge [sflag:s10], $0x4000  }
0x13c: {  	[sflag:s10] =	ssyncset.done $0x0  }
.Ltmp2:
0x13d: {  	s17 =	sadd.s32 s17, s7;
	[sflag:s10] =	ssyncadd.s32 $0xFFFFC000;
	(pc) =	sbr.rel @p0 .LBB2_4-.Ltmp2, $4  }
0x13e: {  	[hbm4b:s17+s22] =	stream.strided.scatter [tilespmem:s24], [sflag:$0x5], $0x8000, s23, s22, $0x38;
	[tilespmem:$0x10200] =	vst v63  }
0x13f: {  	_ =	swait.ge [sflag:s13], $0x8000  }
0x140: {  	[sflag:s13] =	ssyncset.done $0x0  }
0x141: {  	[sflag:s13] =	ssyncadd.s32 $0xFFFF8000  }
0x142: {  	_ =	swait.ge [sflag:s11], $0x100  }
0x143: {  	[sflag:s11] =	ssyncset.done $0x0  }
0x144: {  	[sflag:s11] =	ssyncadd.s32 $0xFFFFFF00  }
0x145: {  	v3 =	vld [tilespmem:$0x0];
	_ =	sdelay $0x4  }
0x146: {  	v4 =	vperm.xlane v3, v0;
	_ =	sdelay $0x1  }
0x147: {  	v3 =	vperm.xlane v3, v2;
	v4 =	vadd.s32 v1, v4;
	_ =	sdelay $0x1  }
0x148: {  	v3 =	vadd.s32 v1, v3;
	_ =	sdelay $0x2  }
0x149: {  	[tilespmem:s12], [sflag:$0x2] =	stream.indirect_vreg.gather [hbm4b:s1+s4], $0x80, v4, vm0, $0xb8;
	[tilespmem:$0x10200] =	vst v63  }
0x14a: {  	s17 =	simm.s32 $0xA00  }
0x14b: {  	[tilespmem:s17], [sflag:$0x2] =	stream.indirect_vreg.gather [hbm4b:s1+s4], $0x80, v3, vm0, $0xb8;
	[tilespmem:$0x10200] =	vst v63  }
0x14c: {  	v3 =	vld [tilespmem:$0x10];
	_ =	sdelay $0x4  }
0x14d: {  	v49 =	vperm.xlane v3, v0;
	_ =	sdelay $0x1  }
0x14e: {  	v3 =	vperm.xlane v3, v2;
	v4 =	vadd.s32 v1, v49;
	_ =	sdelay $0x1  }
0x14f: {  	v3 =	vadd.s32 v1, v3;
	_ =	sdelay $0x1  }
0x150: {  	s18 =	simm.s32 $0x1200  }
0x151: {  	[tilespmem:s18], [sflag:$0x2] =	stream.indirect_vreg.gather [hbm4b:s1+s4], $0x80, v4, vm0, $0xb8;
	[tilespmem:$0x10200] =	vst v63  }
0x152: {  	s19 =	simm.s32 $0x1A00  }
0x153: {  	[tilespmem:s19], [sflag:$0x2] =	stream.indirect_vreg.gather [hbm4b:s1+s4], $0x80, v3, vm0, $0xb8;
	[tilespmem:$0x10200] =	vst v63  }
0x154: {  	v3 =	vld [tilespmem:$0x20];
	_ =	sdelay $0x4  }
0x155: {  	v50 =	vperm.xlane v3, v0;
	_ =	sdelay $0x1  }
0x156: {  	v3 =	vperm.xlane v3, v2;
	v4 =	vadd.s32 v1, v50;
	_ =	sdelay $0x1  }
0x157: {  	v3 =	vadd.s32 v1, v3;
	_ =	sdelay $0x1  }
0x158: {  	s18 =	simm.s32 $0x2200  }
0x159: {  	[tilespmem:s18], [sflag:$0x2] =	stream.indirect_vreg.gather [hbm4b:s1+s4], $0x80, v4, vm0, $0xb8;
	[tilespmem:$0x10200] =	vst v63  }
0x15a: {  	s19 =	simm.s32 $0x2A00  }
0x15b: {  	[tilespmem:s19], [sflag:$0x2] =	stream.indirect_vreg.gather [hbm4b:s1+s4], $0x80, v3, vm0, $0xb8;
	[tilespmem:$0x10200] =	vst v63  }
0x15c: {  	v3 =	vld [tilespmem:$0x30];
	_ =	sdelay $0x4  }
0x15d: {  	v51 =	vperm.xlane v3, v0;
	_ =	sdelay $0x1  }
0x15e: {  	v3 =	vperm.xlane v3, v2;
	v4 =	vadd.s32 v1, v51;
	_ =	sdelay $0x1  }
0x15f: {  	v3 =	vadd.s32 v1, v3;
	_ =	sdelay $0x1  }
0x160: {  	s18 =	simm.s32 $0x3200  }
0x161: {  	[tilespmem:s18], [sflag:$0x2] =	stream.indirect_vreg.gather [hbm4b:s1+s4], $0x80, v4, vm0, $0xb8;
	[tilespmem:$0x10200] =	vst v63  }
0x162: {  	s19 =	simm.s32 $0x3A00  }
0x163: {  	[tilespmem:s19], [sflag:$0x2] =	stream.indirect_vreg.gather [hbm4b:s1+s4], $0x80, v3, vm0, $0xb8;
	[tilespmem:$0x10200] =	vst v63  }
0x164: {  	v3 =	vld [tilespmem:$0x40];
	_ =	sdelay $0x4  }
0x165: {  	v52 =	vperm.xlane v3, v0;
	_ =	sdelay $0x1  }
0x166: {  	v3 =	vperm.xlane v3, v2;
	v4 =	vadd.s32 v1, v52;
	_ =	sdelay $0x1  }
0x167: {  	v3 =	vadd.s32 v1, v3;
	_ =	sdelay $0x1  }
0x168: {  	s18 =	simm.s32 $0x4200  }
0x169: {  	[tilespmem:s18], [sflag:$0x2] =	stream.indirect_vreg.gather [hbm4b:s1+s4], $0x80, v4, vm0, $0xb8;
	[tilespmem:$0x10200] =	vst v63  }
0x16a: {  	s19 =	simm.s32 $0x4A00  }
0x16b: {  	[tilespmem:s19], [sflag:$0x2] =	stream.indirect_vreg.gather [hbm4b:s1+s4], $0x80, v3, vm0, $0xb8;
	[tilespmem:$0x10200] =	vst v63  }
0x16c: {  	v3 =	vld [tilespmem:$0x50];
	_ =	sdelay $0x4  }
0x16d: {  	v53 =	vperm.xlane v3, v0;
	_ =	sdelay $0x1  }
0x16e: {  	v3 =	vperm.xlane v3, v2;
	v4 =	vadd.s32 v1, v53;
	_ =	sdelay $0x1  }
0x16f: {  	v3 =	vadd.s32 v1, v3;
	_ =	sdelay $0x1  }
0x170: {  	s18 =	simm.s32 $0x5200  }
0x171: {  	[tilespmem:s18], [sflag:$0x2] =	stream.indirect_vreg.gather [hbm4b:s1+s4], $0x80, v4, vm0, $0xb8;
	[tilespmem:$0x10200] =	vst v63  }
0x172: {  	s19 =	simm.s32 $0x5A00  }
0x173: {  	[tilespmem:s19], [sflag:$0x2] =	stream.indirect_vreg.gather [hbm4b:s1+s4], $0x80, v3, vm0, $0xb8;
	[tilespmem:$0x10200] =	vst v63  }
0x174: {  	v3 =	vld [tilespmem:$0x60];
	_ =	sdelay $0x4  }
0x175: {  	v54 =	vperm.xlane v3, v0;
	_ =	sdelay $0x1  }
0x176: {  	v3 =	vperm.xlane v3, v2;
	v4 =	vadd.s32 v1, v54;
	_ =	sdelay $0x1  }
0x177: {  	v3 =	vadd.s32 v1, v3;
	_ =	sdelay $0x1  }
0x178: {  	s18 =	simm.s32 $0x6200  }
0x179: {  	[tilespmem:s18], [sflag:$0x2] =	stream.indirect_vreg.gather [hbm4b:s1+s4], $0x80, v4, vm0, $0xb8;
	[tilespmem:$0x10200] =	vst v63  }
0x17a: {  	s19 =	simm.s32 $0x6A00  }
0x17b: {  	[tilespmem:s19], [sflag:$0x2] =	stream.indirect_vreg.gather [hbm4b:s1+s4], $0x80, v3, vm0, $0xb8;
	[tilespmem:$0x10200] =	vst v63  }
0x17c: {  	v3 =	vld [tilespmem:$0x70];
	_ =	sdelay $0x4  }
0x17d: {  	v55 =	vperm.xlane v3, v0;
	_ =	sdelay $0x1  }
0x17e: {  	v3 =	vperm.xlane v3, v2;
	v4 =	vadd.s32 v1, v55;
	_ =	sdelay $0x1  }
0x17f: {  	v3 =	vadd.s32 v1, v3;
	_ =	sdelay $0x1  }
0x180: {  	s18 =	simm.s32 $0x7200  }
0x181: {  	[tilespmem:s18], [sflag:$0x2] =	stream.indirect_vreg.gather [hbm4b:s1+s4], $0x80, v4, vm0, $0xb8;
	[tilespmem:$0x10200] =	vst v63  }
0x182: {  	s19 =	simm.s32 $0x7A00  }
0x183: {  	[tilespmem:s19], [sflag:$0x2] =	stream.indirect_vreg.gather [hbm4b:s1+s4], $0x80, v3, vm0, $0xb8;
	[tilespmem:$0x10200] =	vst v63  }
0x184: {  	v3 =	vld [tilespmem:$0x80];
	_ =	sdelay $0x4  }
0x185: {  	v56 =	vperm.xlane v3, v0;
	_ =	sdelay $0x1  }
0x186: {  	v3 =	vperm.xlane v3, v2;
	v4 =	vadd.s32 v1, v56;
	_ =	sdelay $0x1  }
0x187: {  	v3 =	vadd.s32 v1, v3;
	_ =	sdelay $0x1  }
0x188: {  	s18 =	simm.s32 $0x600  }
0x189: {  	[tilespmem:s18], [sflag:$0x2] =	stream.indirect_vreg.gather [hbm4b:s1+s4], $0x80, v4, vm0, $0xb8;
	[tilespmem:$0x10200] =	vst v63  }
0x18a: {  	s19 =	simm.s32 $0xE00  }
0x18b: {  	[tilespmem:s19], [sflag:$0x2] =	stream.indirect_vreg.gather [hbm4b:s1+s4], $0x80, v3, vm0, $0xb8;
	[tilespmem:$0x10200] =	vst v63  }
0x18c: {  	v3 =	vld [tilespmem:$0x90];
	_ =	sdelay $0x4  }
0x18d: {  	v57 =	vperm.xlane v3, v0;
	_ =	sdelay $0x1  }
0x18e: {  	v3 =	vperm.xlane v3, v2;
	v4 =	vadd.s32 v1, v57;
	_ =	sdelay $0x1  }
0x18f: {  	v3 =	vadd.s32 v1, v3;
	_ =	sdelay $0x1  }
0x190: {  	s18 =	simm.s32 $0x1600  }
0x191: {  	[tilespmem:s18], [sflag:$0x2] =	stream.indirect_vreg.gather [hbm4b:s1+s4], $0x80, v4, vm0, $0xb8;
	[tilespmem:$0x10200] =	vst v63  }
0x192: {  	s19 =	simm.s32 $0x1E00  }
0x193: {  	[tilespmem:s19], [sflag:$0x2] =	stream.indirect_vreg.gather [hbm4b:s1+s4], $0x80, v3, vm0, $0xb8;
	[tilespmem:$0x10200] =	vst v63  }
0x194: {  	v3 =	vld [tilespmem:$0xA0];
	_ =	sdelay $0x4  }
0x195: {  	v58 =	vperm.xlane v3, v0;
	_ =	sdelay $0x1  }
0x196: {  	v3 =	vperm.xlane v3, v2;
	v4 =	vadd.s32 v1, v58;
	_ =	sdelay $0x1  }
0x197: {  	v3 =	vadd.s32 v1, v3;
	_ =	sdelay $0x1  }
0x198: {  	s18 =	simm.s32 $0x2600  }
0x199: {  	[tilespmem:s18], [sflag:$0x2] =	stream.indirect_vreg.gather [hbm4b:s1+s4], $0x80, v4, vm0, $0xb8;
	[tilespmem:$0x10200] =	vst v63  }
0x19a: {  	s19 =	simm.s32 $0x2E00  }
0x19b: {  	[tilespmem:s19], [sflag:$0x2] =	stream.indirect_vreg.gather [hbm4b:s1+s4], $0x80, v3, vm0, $0xb8;
	[tilespmem:$0x10200] =	vst v63  }
0x19c: {  	v3 =	vld [tilespmem:$0xB0];
	_ =	sdelay $0x4  }
0x19d: {  	v59 =	vperm.xlane v3, v0;
	_ =	sdelay $0x1  }
0x19e: {  	v3 =	vperm.xlane v3, v2;
	v4 =	vadd.s32 v1, v59;
	_ =	sdelay $0x1  }
0x19f: {  	v3 =	vadd.s32 v1, v3;
	_ =	sdelay $0x1  }
0x1a0: {  	s18 =	simm.s32 $0x3600  }
0x1a1: {  	[tilespmem:s18], [sflag:$0x2] =	stream.indirect_vreg.gather [hbm4b:s1+s4], $0x80, v4, vm0, $0xb8;
	[tilespmem:$0x10200] =	vst v63  }
0x1a2: {  	s19 =	simm.s32 $0x3E00  }
0x1a3: {  	[tilespmem:s19], [sflag:$0x2] =	stream.indirect_vreg.gather [hbm4b:s1+s4], $0x80, v3, vm0, $0xb8;
	[tilespmem:$0x10200] =	vst v63  }
0x1a4: {  	v3 =	vld [tilespmem:$0xC0];
	_ =	sdelay $0x4  }
0x1a5: {  	v60 =	vperm.xlane v3, v0;
	_ =	sdelay $0x1  }
0x1a6: {  	v3 =	vperm.xlane v3, v2;
	v4 =	vadd.s32 v1, v60;
	_ =	sdelay $0x1  }
0x1a7: {  	v3 =	vadd.s32 v1, v3;
	_ =	sdelay $0x1  }
0x1a8: {  	s18 =	simm.s32 $0x4600  }
0x1a9: {  	[tilespmem:s18], [sflag:$0x2] =	stream.indirect_vreg.gather [hbm4b:s1+s4], $0x80, v4, vm0, $0xb8;
	[tilespmem:$0x10200] =	vst v63  }
0x1aa: {  	s19 =	simm.s32 $0x4E00  }
0x1ab: {  	[tilespmem:s19], [sflag:$0x2] =	stream.indirect_vreg.gather [hbm4b:s1+s4], $0x80, v3, vm0, $0xb8;
	[tilespmem:$0x10200] =	vst v63  }
0x1ac: {  	v3 =	vld [tilespmem:$0xD0];
	_ =	sdelay $0x4  }
0x1ad: {  	v61 =	vperm.xlane v3, v0;
	_ =	sdelay $0x1  }
0x1ae: {  	v3 =	vperm.xlane v3, v2;
	v4 =	vadd.s32 v1, v61;
	_ =	sdelay $0x1  }
0x1af: {  	v3 =	vadd.s32 v1, v3;
	_ =	sdelay $0x1  }
0x1b0: {  	s18 =	simm.s32 $0x5600  }
0x1b1: {  	[tilespmem:s18], [sflag:$0x2] =	stream.indirect_vreg.gather [hbm4b:s1+s4], $0x80, v4, vm0, $0xb8;
	[tilespmem:$0x10200] =	vst v63  }
0x1b2: {  	s19 =	simm.s32 $0x5E00  }
0x1b3: {  	[tilespmem:s19], [sflag:$0x2] =	stream.indirect_vreg.gather [hbm4b:s1+s4], $0x80, v3, vm0, $0xb8;
	[tilespmem:$0x10200] =	vst v63  }
0x1b4: {  	v3 =	vld [tilespmem:$0xE0];
	_ =	sdelay $0x4  }
0x1b5: {  	v62 =	vperm.xlane v3, v0;
	_ =	sdelay $0x1  }
0x1b6: {  	v3 =	vperm.xlane v3, v2;
	v4 =	vadd.s32 v1, v62;
	_ =	sdelay $0x1  }
0x1b7: {  	v3 =	vadd.s32 v1, v3;
	_ =	sdelay $0x1  }
0x1b8: {  	s18 =	simm.s32 $0x6600  }
0x1b9: {  	[tilespmem:s18], [sflag:$0x2] =	stream.indirect_vreg.gather [hbm4b:s1+s4], $0x80, v4, vm0, $0xb8;
	[tilespmem:$0x10200] =	vst v63  }
0x1ba: {  	s19 =	simm.s32 $0x6E00  }
0x1bb: {  	[tilespmem:s19], [sflag:$0x2] =	stream.indirect_vreg.gather [hbm4b:s1+s4], $0x80, v3, vm0, $0xb8;
	[tilespmem:$0x10200] =	vst v63  }
0x1bc: {  	v3 =	vld [tilespmem:$0xF0];
	_ =	sdelay $0x4  }
0x1bd: {  	v63 =	vperm.xlane v3, v0;
	_ =	sdelay $0x1  }
0x1be: {  	v3 =	vperm.xlane v3, v2;
	v4 =	vadd.s32 v1, v63;
	_ =	sdelay $0x1  }
0x1bf: {  	v3 =	vadd.s32 v1, v3  }
.Ltmp3:
0x1c0: {  	_ = 	snop;
	(pc) =	sbr.rel .LBB2_2-.Ltmp3, $4  }
0x1c1: {  	s16 =	sadd.s32 $0x40, s16;
	s18 =	simm.s32 $0x7600  }
0x1c2: {  	[tilespmem:s18], [sflag:$0x2] =	stream.indirect_vreg.gather [hbm4b:s1+s4], $0x80, v4, vm0, $0xb8;
	[tilespmem:$0x10200] =	vst v63  }
0x1c3: {  	s15 =	sadd.s32 $0x2000, s15;
	s14 =	sadd.s32 $0x4000, s14;
	s19 =	simm.s32 $0x7E00  }
0x1c4: {  	[tilespmem:s19], [sflag:$0x2] =	stream.indirect_vreg.gather [hbm4b:s1+s4], $0x80, v3, vm0, $0xb8;
	[tilespmem:$0x10200] =	vst v63  }
.LBB2_5:
0x1c5: {  	_ =	sfence.sel $0x180000  }
0x1c6: {  	[bflag:$0x0] =	sbarrier.arrive $0xFFFF  }
0x1c7: {  	_ =	strace $0x90000047  }
0x1c8: {  	s0 =	stileid.u32;
	[bflag:$0x2] =	sbarrier.arrive $0xFFFF  }
0x1c9: {  	p0 =	sne.s32 s0, $0x0;
	s0 =	rddreg [dreg:$0x3]  }
0x1ca: {  	s0 =	sadd.s32 @!p0 $0x100000, s0  }
0x1cb: {  	[sflag:s0] =	ssyncadd.tile.s32 @!p0 $0x1;
	_ =	shalt  }
.Lfunc_end2:
_tile_overlayer_lowered:
.L_overlay_start_2:
0x1cc: {  	(tag) =	ssettag $0x2  }
0x1cd: {  	s0 =	rddreg [dreg:$0x0];
	s2 =	stileid.u32  }
0x1ce: {  	s1 =	rddreg [dreg:$0x1];
	p0 =	sne.s32 s2, $0x0  }
0x1cf: {  	s3 =	rddreg [dreg:$0x2];
	[bflag:$0x3] =	sbarrier.arrive $0xFFFF;
	s2 =	simm.s32 @!p0 $0x1C06  }
0x1d0: {  	[timem:s3], [sflag:s2] =	dma.local @!p0 [hbm:s0], s1  }
0x1d1: {  	s0 =	simm.s32 @!p0 $0x6  }
0x1d2: {  	_ =	swait.ge @!p0 [sflag:s0], s1  }
0x1d3: {  	s1 =	ssub.s32 @!p0 $0x0, s1;
	[sflag:s0] =	ssyncset.done @!p0 $0x0  }
0x1d4: {  	[sflag:s0] =	ssyncadd.s32 @!p0 s1  }
0x1d5: {  	[bflag:$0x3] =	sbarrier.arrive $0xFFFF  }
0x1d6: {  	_ =	shalt  }

</sc_bundles>
